<compile_context>
chip_gen: v7x
topology: tpu7x:2x2x1
jax: 0.10.2.dev20260603
libtpu: 0.0.44.dev20260713+nightly
codegen_flags: <defaults>
</compile_context>

<pallas_src>
import functools

import jax
import jax.numpy as jnp
from jax import lax
from jax.experimental import pallas as pl
from jax.experimental.pallas import tpu as pltpu
from jax.experimental.pallas import tpu_sc as plsc

B, N, K = 16, 2048, 16
EPS = 1e-5
NW = 32
IW = (B * N) // NW
RCH = 128
ROWS = 512
T = 256
TR = 2048
INT_MAX = 2**31 - 1


def _lrelu(x):
    return jnp.where(x >= 0, x, 0.2 * x)


def _knn_body(pr_ref, pt_ref, out_ref):
    b = pl.program_id(0)
    pr = pr_ref[0]
    pt = pt_ref[0]
    sq_r = jnp.sum(pr * pr, axis=1, keepdims=True)
    sq_a = jnp.sum(pt * pt, axis=0, keepdims=True)
    prb = pr.astype(jnp.bfloat16).astype(jnp.float32)
    ptb = pt.astype(jnp.bfloat16).astype(jnp.float32)
    g = (prb[:, 0:1] * ptb[0:1, :] + prb[:, 1:2] * ptb[1:2, :]
         + prb[:, 2:3] * ptb[2:3, :])
    d = sq_r - 2.0 * g + sq_a
    iota = lax.broadcasted_iota(jnp.int32, (ROWS, N), 1)
    cols = []
    for _ in range(K):
        m = jnp.min(d, axis=1, keepdims=True)
        am = jnp.min(jnp.where(d == m, iota, INT_MAX), axis=1, keepdims=True)
        cols.append(am)
        d = jnp.where(iota == am, jnp.float32(jnp.inf), d)
    out_ref[...] = jnp.concatenate(cols, axis=1) + b * N


def _knn(pts, pts_t):
    return pl.pallas_call(
        _knn_body,
        grid=(B, N // ROWS),
        in_specs=[
            pl.BlockSpec((1, ROWS, 3), lambda b, t: (b, t, 0)),
            pl.BlockSpec((1, 3, N), lambda b, t: (b, 0, 0)),
        ],
        out_specs=pl.BlockSpec((ROWS, K), lambda b, t: (b * (N // ROWS) + t, 0)),
        out_shape=jax.ShapeDtypeStruct((B * N, K), jnp.int32),
    )(pts, pts_t)


def _sc_gather_rows(feat, idx_flat, cin):
    mesh = plsc.VectorSubcoreMesh(core_axis_name="c", subcore_axis_name="s",
                                  num_cores=2, num_subcores=16)
    rows_w = IW * K
    n_ch = rows_w // RCH

    def body(feat_hbm, idx_hbm, g_hbm, idx_v, rows_v0, rows_v1,
             sg0, sg1, so0, so1):
        wid = lax.axis_index("s") * 2 + lax.axis_index("c")
        base = wid * rows_w
        pltpu.sync_copy(idx_hbm.at[pl.ds(base, rows_w)], idx_v)

        def g_start(ci, buf, sem):
            pltpu.async_copy(feat_hbm.at[idx_v.at[pl.ds(ci * RCH, RCH)]],
                             buf, sem)

        def g_wait(ci, buf, sem):
            pltpu.make_async_copy(feat_hbm.at[idx_v.at[pl.ds(ci * RCH, RCH)]],
                                  buf, sem).wait()

        def o_start(ci, buf, sem):
            pltpu.async_copy(buf, g_hbm.at[pl.ds(base + ci * RCH, RCH)], sem)

        def o_wait(ci, buf, sem):
            pltpu.make_async_copy(buf, g_hbm.at[pl.ds(base + ci * RCH, RCH)],
                                  sem).wait()

        g_start(0, rows_v0, sg0)

        def pair(i, carry):
            c0 = 2 * i

            @pl.when(i > 0)
            def _():
                o_wait(c0 - 1, rows_v1, so1)

            g_start(c0 + 1, rows_v1, sg1)
            g_wait(c0, rows_v0, sg0)
            o_start(c0, rows_v0, so0)

            o_wait(c0, rows_v0, so0)

            @pl.when(i < n_ch // 2 - 1)
            def _():
                g_start(c0 + 2, rows_v0, sg0)

            g_wait(c0 + 1, rows_v1, sg1)
            o_start(c0 + 1, rows_v1, so1)
            return carry

        lax.fori_loop(0, n_ch // 2, pair, 0)
        o_wait(n_ch - 1, rows_v1, so1)

    run = pl.kernel(
        body,
        out_type=jax.ShapeDtypeStruct((B * N * K, cin), jnp.float32),
        mesh=mesh,
        compiler_params=pltpu.CompilerParams(use_tc_tiling_on_sc=False),
        scratch_types=[
            pltpu.VMEM((rows_w,), jnp.int32),
            pltpu.VMEM((RCH, cin), jnp.float32),
            pltpu.VMEM((RCH, cin), jnp.float32),
            pltpu.SemaphoreType.DMA,
            pltpu.SemaphoreType.DMA,
            pltpu.SemaphoreType.DMA,
            pltpu.SemaphoreType.DMA,
        ],
    )
    return run(feat, idx_flat)


def _edge_body(x_ref, g_ref, wl_ref, wr_ref, b_ref, fp_ref, S1_ref, S2_ref,
               *, cin, c):
    t = pl.program_id(0)
    x = x_ref[...]
    g = g_ref[...]
    xb = x.astype(jnp.bfloat16)
    hc = jnp.dot(xb, wl_ref[...], preferred_element_type=jnp.float32)
    d = (g.reshape(T, K, cin) - x[:, None, :]).astype(jnp.bfloat16)
    hd = jnp.dot(d.reshape(T * K, cin), wr_ref[...],
                 preferred_element_type=jnp.float32)
    h = hd.reshape(T, K, c) + hc[:, None, :] + b_ref[...]
    fp_ref[...] = jnp.max(h, axis=1)
    p1 = jnp.sum(jnp.sum(h, axis=1), axis=0, keepdims=True)
    p2 = jnp.sum(jnp.sum(h * h, axis=1), axis=0, keepdims=True)

    @pl.when(t == 0)
    def _():
        S1_ref[...] = jnp.zeros_like(S1_ref)
        S2_ref[...] = jnp.zeros_like(S2_ref)

    S1_ref[...] += p1
    S2_ref[...] += p2


def _edge(x, g, wl_b, wr_b, bias):
    cin, c = wl_b.shape
    return pl.pallas_call(
        functools.partial(_edge_body, cin=cin, c=c),
        grid=((B * N) // T,),
        in_specs=[
            pl.BlockSpec((T, cin), lambda t: (t, 0)),
            pl.BlockSpec((T * K, cin), lambda t: (t, 0)),
            pl.BlockSpec((cin, c), lambda t: (0, 0)),
            pl.BlockSpec((cin, c), lambda t: (0, 0)),
            pl.BlockSpec((1, c), lambda t: (0, 0)),
        ],
        out_specs=[
            pl.BlockSpec((T, c), lambda t: (t, 0)),
            pl.BlockSpec((1, c), lambda t: (0, 0)),
            pl.BlockSpec((1, c), lambda t: (0, 0)),
        ],
        out_shape=[
            jax.ShapeDtypeStruct((B * N, c), jnp.float32),
            jax.ShapeDtypeStruct((1, c), jnp.float32),
            jax.ShapeDtypeStruct((1, c), jnp.float32),
        ],
    )(x, g, wl_b, wr_b, bias)


def _fin_body(fp_ref, S1_ref, S2_ref, g_ref, be_ref, f_ref):
    cnt = jnp.float32(B * N * K)
    mean = S1_ref[...] / cnt
    var = S2_ref[...] / cnt - mean * mean
    scale = lax.rsqrt(var + EPS) * g_ref[...]
    f_ref[...] = _lrelu((fp_ref[...] - mean) * scale + be_ref[...])


def _finalize(fp, S1, S2, gamma, beta):
    rows, c = fp.shape
    return pl.pallas_call(
        _fin_body,
        grid=(rows // TR,),
        in_specs=[
            pl.BlockSpec((TR, c), lambda t: (t, 0)),
            pl.BlockSpec((1, c), lambda t: (0, 0)),
            pl.BlockSpec((1, c), lambda t: (0, 0)),
            pl.BlockSpec((1, c), lambda t: (0, 0)),
            pl.BlockSpec((1, c), lambda t: (0, 0)),
        ],
        out_specs=pl.BlockSpec((TR, c), lambda t: (t, 0)),
        out_shape=jax.ShapeDtypeStruct((rows, c), jnp.float32),
    )(fp, S1, S2, gamma, beta)


def _glayer_body(f3_ref, wg_ref, bg_ref, mx_ref, S1_ref, S2_ref):
    b = pl.program_id(0)
    y = jnp.dot(f3_ref[...].astype(jnp.bfloat16), wg_ref[...],
                preferred_element_type=jnp.float32) + bg_ref[...]
    mx_ref[...] = jnp.max(y, axis=0, keepdims=True)[None]

    @pl.when(b == 0)
    def _():
        S1_ref[...] = jnp.zeros_like(S1_ref)
        S2_ref[...] = jnp.zeros_like(S2_ref)

    S1_ref[...] += jnp.sum(y, axis=0, keepdims=True)
    S2_ref[...] += jnp.sum(y * y, axis=0, keepdims=True)


def _glayer(f3, wg_t, bg):
    cin, c = wg_t.shape
    return pl.pallas_call(
        _glayer_body,
        grid=(B,),
        in_specs=[
            pl.BlockSpec((N, cin), lambda b: (b, 0)),
            pl.BlockSpec((cin, c), lambda b: (0, 0)),
            pl.BlockSpec((1, c), lambda b: (0, 0)),
        ],
        out_specs=[
            pl.BlockSpec((1, 1, c), lambda b: (b, 0, 0)),
            pl.BlockSpec((1, c), lambda b: (0, 0)),
            pl.BlockSpec((1, c), lambda b: (0, 0)),
        ],
        out_shape=[
            jax.ShapeDtypeStruct((B, 1, c), jnp.float32),
            jax.ShapeDtypeStruct((1, c), jnp.float32),
            jax.ShapeDtypeStruct((1, c), jnp.float32),
        ],
    )(f3, wg_t, bg)


def _head_body(mx_ref, S1_ref, S2_ref, gg_ref, beg_ref,
               w1_ref, b1_ref, g1_ref, be1_ref,
               w2_ref, b2_ref, g2_ref, be2_ref,
               w3_ref, b3_ref, out_ref):
    cnt = jnp.float32(B * N)
    mean = S1_ref[...] / cnt
    var = S2_ref[...] / cnt - mean * mean
    g = _lrelu((mx_ref[...] - mean) * (lax.rsqrt(var + EPS) * gg_ref[...])
               + beg_ref[...])
    h = jnp.dot(g.astype(jnp.bfloat16), w1_ref[...],
                preferred_element_type=jnp.float32) + b1_ref[...]
    m = jnp.mean(h, axis=0, keepdims=True)
    v = jnp.mean((h - m) ** 2, axis=0, keepdims=True)
    h = _lrelu((h - m) * (lax.rsqrt(v + EPS) * g1_ref[...]) + be1_ref[...])
    h = jnp.dot(h.astype(jnp.bfloat16), w2_ref[...],
                preferred_element_type=jnp.float32) + b2_ref[...]
    m = jnp.mean(h, axis=0, keepdims=True)
    v = jnp.mean((h - m) ** 2, axis=0, keepdims=True)
    h = _lrelu((h - m) * (lax.rsqrt(v + EPS) * g2_ref[...]) + be2_ref[...])
    hb = h.astype(jnp.bfloat16).astype(jnp.float32)
    w3 = w3_ref[...]
    out_ref[...] = jnp.sum(hb * w3, axis=1, keepdims=True) + b3_ref[...]


def _head(mxg, S1, S2, gg, beg, w1t, b1, g1, be1, w2t, b2, g2, be2, w3b, b3):
    return pl.pallas_call(
        _head_body,
        out_shape=jax.ShapeDtypeStruct((B, 1), jnp.float32),
    )(mxg, S1, S2, gg, beg, w1t, b1, g1, be1, w2t, b2, g2, be2, w3b, b3)


def kernel(points, W1, b1, g1, be1, W2, b2, g2, be2, W3, b3, g3, be3,
           Wg, bg, gg, beg, Wd1, bd1, gd1, bed1, Wd2, bd2, gd2, bed2, Wd3, bd3):
    f32, bf16 = jnp.float32, jnp.bfloat16
    pts = points.astype(f32)
    pts_t = jnp.transpose(pts, (0, 2, 1))
    idx = _knn(pts, pts_t)
    idx_flat = idx.reshape(-1)

    f = jnp.pad(pts.reshape(B * N, 3), ((0, 0), (0, 13)))
    pad1 = 13
    for (W, bb, ga, be) in ((W1, b1, g1, be1), (W2, b2, g2, be2),
                            (W3, b3, g3, be3)):
        c = W.shape[0]
        cin_t = W.shape[1] // 2
        wl = W[:, :cin_t].astype(bf16).T
        wr = W[:, cin_t:].astype(bf16).T
        if pad1:
            wl = jnp.pad(wl, ((0, pad1), (0, 0)))
            wr = jnp.pad(wr, ((0, pad1), (0, 0)))
        g = _sc_gather_rows(f, idx_flat, f.shape[1])
        fp, S1, S2 = _edge(f, g, wl, wr, bb.reshape(1, c).astype(f32))
        f = _finalize(fp, S1, S2, ga.reshape(1, c), be.reshape(1, c))
        pad1 = 0

    cg = Wg.shape[0]
    mxg, Sg1, Sg2 = _glayer(f, Wg.T.astype(bf16), bg.reshape(1, cg))
    mxg = mxg.reshape(B, cg)
    return _head(mxg, Sg1, Sg2, gg.reshape(1, -1), beg.reshape(1, -1),
                 Wd1.T.astype(bf16), bd1.reshape(1, -1), gd1.reshape(1, -1),
                 bed1.reshape(1, -1),
                 Wd2.T.astype(bf16), bd2.reshape(1, -1), gd2.reshape(1, -1),
                 bed2.reshape(1, -1),
                 Wd3.astype(bf16).astype(f32), bd3.reshape(1, 1))

# --- scband reference (transcript-rebuilt; emitter-appended) ---
"""Pipeline reference for scband-spectral-discriminator-64991445123093 (READ-ONLY COPY).

The authoritative reference and input builder live on the scoring server;
editing this copy changes nothing except your own understanding.
"""

import jax, jax.numpy as jnp
import numpy as np

B, N, K = 16, 2048, 16
HID = 256
EPS = 1e-5

def setup_inputs():
    ks = jax.random.split(jax.random.key(0), 16)
    def p(i, shape):
        return jax.random.normal(ks[i], shape, dtype=jnp.float32) * 0.05
    inp = {"points": jax.random.normal(ks[0], (B, N, 3), dtype=jnp.float32)}
    inp.update({
        "W1": p(1, (64, 6)), "b1": p(2, (64,)), "g1": jnp.ones((64,), jnp.float32), "be1": jnp.zeros((64,), jnp.float32),
        "W2": p(3, (128, 128)), "b2": p(4, (128,)), "g2": jnp.ones((128,), jnp.float32), "be2": jnp.zeros((128,), jnp.float32),
        "W3": p(5, (256, 256)), "b3": p(6, (256,)), "g3": jnp.ones((256,), jnp.float32), "be3": jnp.zeros((256,), jnp.float32),
        "Wg": p(7, (HID, 256)), "bg": p(8, (HID,)), "gg": jnp.ones((HID,), jnp.float32), "beg": jnp.zeros((HID,), jnp.float32),
        "Wd1": p(9, (128, HID)), "bd1": p(10, (128,)), "gd1": jnp.ones((128,), jnp.float32), "bed1": jnp.zeros((128,), jnp.float32),
        "Wd2": p(11, (64, 128)), "bd2": p(12, (64,)), "gd2": jnp.ones((64,), jnp.float32), "bed2": jnp.zeros((64,), jnp.float32),
        "Wd3": p(13, (1, 64)), "bd3": p(14, (1,)),
    })
    return inp

def lrelu(x):
    return jnp.where(x >= 0, x, 0.2 * x)

def bn(x, gamma, beta, axes):
    m = jnp.mean(x, axis=axes, keepdims=True)
    v = jnp.var(x, axis=axes, keepdims=True)
    return (x - m) / jnp.sqrt(v + EPS) * gamma + beta

def knn_idx(pos):
    sq = jnp.sum(pos * pos, axis=-1)
    d = sq[:, :, None] - 2.0 * jnp.einsum('bic,bjc->bij', pos, pos) + sq[:, None, :]
    _, idx = jax.lax.top_k(-d, K)
    return idx

def sgconv(x, idx, W, b, gamma, beta):
    nbr = jax.vmap(lambda f, i: f[i])(x, idx)
    center = jnp.broadcast_to(x[:, :, None, :], nbr.shape)
    edge = jnp.concatenate([center, nbr - center], axis=-1)
    h = jnp.einsum('bnkc,oc->bnko', edge, W) + b
    h = bn(h, gamma, beta, axes=(0, 1, 2))
    h = lrelu(h)
    return jnp.max(h, axis=2)

def _fwd(points, idx, W1, b1, g1, be1, W2, b2, g2, be2, W3, b3, g3, be3, Wg, bg, gg, beg, Wd1, bd1, gd1, bed1, Wd2, bd2, gd2, bed2, Wd3, bd3):
    f1 = sgconv(points, idx, W1, b1, g1, be1)
    f2 = sgconv(f1, idx, W2, b2, g2, be2)
    f3 = sgconv(f2, idx, W3, b3, g3, be3)
    g = jnp.einsum('bnc,oc->bno', f3, Wg) + bg
    g = bn(g, gg, beg, axes=(0, 1))
    g = lrelu(g)
    g = jnp.max(g, axis=1)
    h = g @ Wd1.T + bd1
    h = bn(h, gd1, bed1, axes=(0,))
    h = lrelu(h)
    h = h @ Wd2.T + bd2
    h = bn(h, gd2, bed2, axes=(0,))
    h = lrelu(h)
    return h @ Wd3.T + bd3

def reference(points, W1, b1, g1, be1, W2, b2, g2, be2, W3, b3, g3, be3, Wg, bg, gg, beg, Wd1, bd1, gd1, bed1, Wd2, bd2, gd2, bed2, Wd3, bd3):
    idx = knn_idx(points)
    return _fwd(points, idx, W1, b1, g1, be1, W2, b2, g2, be2, W3, b3, g3, be3, Wg, bg, gg, beg, Wd1, bd1, gd1, bed1, Wd2, bd2, gd2, bed2, Wd3, bd3)

if __name__ == "__main__":
    import jax
    _d = setup_inputs()
    print(jax.jit(kernel)(*tuple(_d.values())))

</pallas_src>

<mosaic_0001>
#map = affine_map<(d0, d1) -> (0, 0)>
#map1 = affine_map<(d0, d1) -> (0)>
module attributes {stable_mosaic.version = 14 : i64} {
  func.func @body(%arg0: i32, %arg1: i32, %arg2: memref<32768x16xf32, #tpu.memory_space<hbm>>, %arg3: memref<524288xi32, #tpu.memory_space<hbm>>, %arg4: memref<524288x16xf32, #tpu.memory_space<hbm>>, %arg5: memref<16384xi32, #tpu.memory_space<vmem>>, %arg6: memref<128x16xf32, #tpu.memory_space<vmem>>, %arg7: memref<128x16xf32, #tpu.memory_space<vmem>>, %arg8: memref<!tpu.dma_semaphore, #tpu.memory_space<semaphore_mem>>, %arg9: memref<!tpu.dma_semaphore, #tpu.memory_space<semaphore_mem>>, %arg10: memref<!tpu.dma_semaphore, #tpu.memory_space<semaphore_mem>>, %arg11: memref<!tpu.dma_semaphore, #tpu.memory_space<semaphore_mem>>) attributes {dimension_semantics = [#tpu.dimension_semantics<core_parallel>, #tpu.dimension_semantics<subcore_parallel>], iteration_bounds = array<i64: 2, 16>, scalar_prefetch = 0 : i64, scratch_operands = 7 : i64, tpu.core_type = #tpu.core_type<sc_vector_subcore>, window_params = [{transform_indices = #map}, {transform_indices = #map1}, {transform_indices = #map}]} {
    %mul3A = arith.constant 2 : i32
    %mul3A_0 = arith.muli %arg1, %mul3A : i32
    %add3A = arith.addi %mul3A_0, %arg0 : i32
    %mul3A_1 = arith.constant 16384 : i32
    %mul3A_2 = arith.muli %add3A, %mul3A_1 : i32
    "tpu.region"() ({
      %run_scoped3A = tpu.sem_alloc : memref<!tpu.dma_semaphore, #tpu.memory_space<semaphore_mem>>
      %dma_start3A_17 = tpu.memref_slice %arg3[%mul3A_2] : memref<524288xi32, #tpu.memory_space<hbm>> -> memref<16384xi32, #tpu.memory_space<hbm>>
      %dma_start3A_18 = tpu.memref_slice %arg3[%mul3A_2] : memref<524288xi32, #tpu.memory_space<hbm>> -> memref<16384xi32, #tpu.memory_space<hbm>>
      tpu.enqueue_dma source(%dma_start3A_18 : memref<16384xi32, #tpu.memory_space<hbm>>) target(%arg5 : memref<16384xi32, #tpu.memory_space<vmem>>) target_semaphore(%run_scoped3A : memref<!tpu.dma_semaphore, #tpu.memory_space<semaphore_mem>>)
      %dma_wait3A_19 = tpu.memref_slice %arg3[%mul3A_2] : memref<524288xi32, #tpu.memory_space<hbm>> -> memref<16384xi32, #tpu.memory_space<hbm>>
      %dma_wait3A_20 = tpu.memref_slice %arg3[%mul3A_2] : memref<524288xi32, #tpu.memory_space<hbm>> -> memref<16384xi32, #tpu.memory_space<hbm>>
      tpu.wait_dma2 semaphore(%run_scoped3A : memref<!tpu.dma_semaphore, #tpu.memory_space<semaphore_mem>>) src(%dma_wait3A_20 : memref<16384xi32, #tpu.memory_space<hbm>>) dst(%arg5 : memref<16384xi32, #tpu.memory_space<vmem>>)
      tpu.yield
    }) : () -> ()
    %dma_start3A = arith.constant 0 : i32
    %dma_start3A_3 = tpu.memref_slice %arg5[%dma_start3A] : memref<16384xi32, #tpu.memory_space<vmem>> -> memref<128xi32, #tpu.memory_space<vmem>>
    %dma_start3A_4 = arith.constant 0 : i32
    %dma_start3A_5 = arith.constant 0 : i32
    %dma_start3A_6 = tpu.memref_slice %arg2[%dma_start3A_4, %dma_start3A_5] : memref<32768x16xf32, #tpu.memory_space<hbm>> -> memref<32768x16xf32, #tpu.memory_space<hbm>>
    tpu.enqueue_indirect_dma source(%dma_start3A_6 : memref<32768x16xf32, #tpu.memory_space<hbm>>) target(%arg6 : memref<128x16xf32, #tpu.memory_space<vmem>>) offsets(%dma_start3A_3 : memref<128xi32, #tpu.memory_space<vmem>>) semaphore(%arg8 : memref<!tpu.dma_semaphore, #tpu.memory_space<semaphore_mem>>)
    %scan3A = arith.constant 0 : i32
    %scan3A_7 = arith.constant 0 : i32
    %scan3A_8 = arith.constant 64 : i32
    %scan3A_9 = arith.addi %scan3A_7, %scan3A_8 : i32
    %scan3A_10 = arith.constant 1 : i32
    scf.for %scan3A_17 = %scan3A_7 to %scan3A_9 step %scan3A_10  : i32 {
      %mul3A_18 = arith.constant 2 : i32
      %mul3A_19 = arith.muli %mul3A_18, %scan3A_17 : i32
      %gt3A = arith.constant 0 : i32
      %gt3A_20 = arith.cmpi sgt, %scan3A_17, %gt3A : i32
      %convert_element_type3A = arith.extui %gt3A_20 : i1 to i32
      %cond3A = arith.constant 0 : i32
      %cond3A_21 = arith.cmpi ne, %convert_element_type3A, %cond3A : i32
      scf.if %cond3A_21 {
        %sub3A = arith.constant 1 : i32
        %sub3A_71 = arith.subi %mul3A_19, %sub3A : i32
        %mul3A_72 = arith.constant 128 : i32
        %mul3A_73 = arith.muli %sub3A_71, %mul3A_72 : i32
        %add3A_74 = arith.addi %mul3A_2, %mul3A_73 : i32
        %dma_wait3A_75 = arith.constant 0 : i32
        %dma_wait3A_76 = tpu.memref_slice %arg4[%add3A_74, %dma_wait3A_75] : memref<524288x16xf32, #tpu.memory_space<hbm>> -> memref<128x16xf32, #tpu.memory_space<hbm>>
        %dma_wait3A_77 = arith.constant 0 : i32
        %dma_wait3A_78 = tpu.memref_slice %arg4[%add3A_74, %dma_wait3A_77] : memref<524288x16xf32, #tpu.memory_space<hbm>> -> memref<128x16xf32, #tpu.memory_space<hbm>>
        tpu.wait_dma2 semaphore(%arg11 : memref<!tpu.dma_semaphore, #tpu.memory_space<semaphore_mem>>) src(%arg7 : memref<128x16xf32, #tpu.memory_space<vmem>>) dst(%dma_wait3A_78 : memref<128x16xf32, #tpu.memory_space<hbm>>)
      } else {
      }
      %add3A_22 = arith.constant 1 : i32
      %add3A_23 = arith.addi %mul3A_19, %add3A_22 : i32
      %mul3A_24 = arith.constant 128 : i32
      %mul3A_25 = arith.muli %add3A_23, %mul3A_24 : i32
      %dma_start3A_26 = tpu.memref_slice %arg5[%mul3A_25] : memref<16384xi32, #tpu.memory_space<vmem>> -> memref<128xi32, #tpu.memory_space<vmem>>
      %dma_start3A_27 = arith.constant 0 : i32
      %dma_start3A_28 = arith.constant 0 : i32
      %dma_start3A_29 = tpu.memref_slice %arg2[%dma_start3A_27, %dma_start3A_28] : memref<32768x16xf32, #tpu.memory_space<hbm>> -> memref<32768x16xf32, #tpu.memory_space<hbm>>
      tpu.enqueue_indirect_dma source(%dma_start3A_29 : memref<32768x16xf32, #tpu.memory_space<hbm>>) target(%arg7 : memref<128x16xf32, #tpu.memory_space<vmem>>) offsets(%dma_start3A_26 : memref<128xi32, #tpu.memory_space<vmem>>) semaphore(%arg9 : memref<!tpu.dma_semaphore, #tpu.memory_space<semaphore_mem>>)
      %mul3A_30 = arith.constant 128 : i32
      %mul3A_31 = arith.muli %mul3A_19, %mul3A_30 : i32
      %dma_wait3A_32 = tpu.memref_slice %arg5[%mul3A_31] : memref<16384xi32, #tpu.memory_space<vmem>> -> memref<128xi32, #tpu.memory_space<vmem>>
      %dma_wait3A_33 = arith.constant 0 : i32
      %dma_wait3A_34 = arith.constant 0 : i32
      %dma_wait3A_35 = tpu.memref_slice %arg2[%dma_wait3A_33, %dma_wait3A_34] : memref<32768x16xf32, #tpu.memory_space<hbm>> -> memref<32768x16xf32, #tpu.memory_space<hbm>>
      tpu.wait_indirect_dma semaphore(%arg8 : memref<!tpu.dma_semaphore, #tpu.memory_space<semaphore_mem>>) src(%dma_wait3A_35 : memref<32768x16xf32, #tpu.memory_space<hbm>>) dst(%arg6 : memref<128x16xf32, #tpu.memory_space<vmem>>)
      %mul3A_36 = arith.constant 128 : i32
      %mul3A_37 = arith.muli %mul3A_19, %mul3A_36 : i32
      %add3A_38 = arith.addi %mul3A_2, %mul3A_37 : i32
      %dma_start3A_39 = arith.constant 0 : i32
      %dma_start3A_40 = tpu.memref_slice %arg4[%add3A_38, %dma_start3A_39] : memref<524288x16xf32, #tpu.memory_space<hbm>> -> memref<128x16xf32, #tpu.memory_space<hbm>>
      %dma_start3A_41 = arith.constant 0 : i32
      %dma_start3A_42 = tpu.memref_slice %arg4[%add3A_38, %dma_start3A_41] : memref<524288x16xf32, #tpu.memory_space<hbm>> -> memref<128x16xf32, #tpu.memory_space<hbm>>
      tpu.enqueue_dma source(%arg6 : memref<128x16xf32, #tpu.memory_space<vmem>>) target(%dma_start3A_42 : memref<128x16xf32, #tpu.memory_space<hbm>>) target_semaphore(%arg10 : memref<!tpu.dma_semaphore, #tpu.memory_space<semaphore_mem>>)
      %mul3A_43 = arith.constant 128 : i32
      %mul3A_44 = arith.muli %mul3A_19, %mul3A_43 : i32
      %add3A_45 = arith.addi %mul3A_2, %mul3A_44 : i32
      %dma_wait3A_46 = arith.constant 0 : i32
      %dma_wait3A_47 = tpu.memref_slice %arg4[%add3A_45, %dma_wait3A_46] : memref<524288x16xf32, #tpu.memory_space<hbm>> -> memref<128x16xf32, #tpu.memory_space<hbm>>
      %dma_wait3A_48 = arith.constant 0 : i32
      %dma_wait3A_49 = tpu.memref_slice %arg4[%add3A_45, %dma_wait3A_48] : memref<524288x16xf32, #tpu.memory_space<hbm>> -> memref<128x16xf32, #tpu.memory_space<hbm>>
      tpu.wait_dma2 semaphore(%arg10 : memref<!tpu.dma_semaphore, #tpu.memory_space<semaphore_mem>>) src(%arg6 : memref<128x16xf32, #tpu.memory_space<vmem>>) dst(%dma_wait3A_49 : memref<128x16xf32, #tpu.memory_space<hbm>>)
      %lt3A = arith.constant 63 : i32
      %lt3A_50 = arith.cmpi slt, %scan3A_17, %lt3A : i32
      %convert_element_type3A_51 = arith.extui %lt3A_50 : i1 to i32
      %cond3A_52 = arith.constant 0 : i32
      %cond3A_53 = arith.cmpi ne, %convert_element_type3A_51, %cond3A_52 : i32
      scf.if %cond3A_53 {
        %add3A_71 = arith.constant 2 : i32
        %add3A_72 = arith.addi %mul3A_19, %add3A_71 : i32
        %mul3A_73 = arith.constant 128 : i32
        %mul3A_74 = arith.muli %add3A_72, %mul3A_73 : i32
        %dma_start3A_75 = tpu.memref_slice %arg5[%mul3A_74] : memref<16384xi32, #tpu.memory_space<vmem>> -> memref<128xi32, #tpu.memory_space<vmem>>
        %dma_start3A_76 = arith.constant 0 : i32
        %dma_start3A_77 = arith.constant 0 : i32
        %dma_start3A_78 = tpu.memref_slice %arg2[%dma_start3A_76, %dma_start3A_77] : memref<32768x16xf32, #tpu.memory_space<hbm>> -> memref<32768x16xf32, #tpu.memory_space<hbm>>
        tpu.enqueue_indirect_dma source(%dma_start3A_78 : memref<32768x16xf32, #tpu.memory_space<hbm>>) target(%arg6 : memref<128x16xf32, #tpu.memory_space<vmem>>) offsets(%dma_start3A_75 : memref<128xi32, #tpu.memory_space<vmem>>) semaphore(%arg8 : memref<!tpu.dma_semaphore, #tpu.memory_space<semaphore_mem>>)
      } else {
      }
      %add3A_54 = arith.constant 1 : i32
      %add3A_55 = arith.addi %mul3A_19, %add3A_54 : i32
      %mul3A_56 = arith.constant 128 : i32
      %mul3A_57 = arith.muli %add3A_55, %mul3A_56 : i32
      %dma_wait3A_58 = tpu.memref_slice %arg5[%mul3A_57] : memref<16384xi32, #tpu.memory_space<vmem>> -> memref<128xi32, #tpu.memory_space<vmem>>
      %dma_wait3A_59 = arith.constant 0 : i32
      %dma_wait3A_60 = arith.constant 0 : i32
      %dma_wait3A_61 = tpu.memref_slice %arg2[%dma_wait3A_59, %dma_wait3A_60] : memref<32768x16xf32, #tpu.memory_space<hbm>> -> memref<32768x16xf32, #tpu.memory_space<hbm>>
      tpu.wait_indirect_dma semaphore(%arg9 : memref<!tpu.dma_semaphore, #tpu.memory_space<semaphore_mem>>) src(%dma_wait3A_61 : memref<32768x16xf32, #tpu.memory_space<hbm>>) dst(%arg7 : memref<128x16xf32, #tpu.memory_space<vmem>>)
      %add3A_62 = arith.constant 1 : i32
      %add3A_63 = arith.addi %mul3A_19, %add3A_62 : i32
      %mul3A_64 = arith.constant 128 : i32
      %mul3A_65 = arith.muli %add3A_63, %mul3A_64 : i32
      %add3A_66 = arith.addi %mul3A_2, %mul3A_65 : i32
      %dma_start3A_67 = arith.constant 0 : i32
      %dma_start3A_68 = tpu.memref_slice %arg4[%add3A_66, %dma_start3A_67] : memref<524288x16xf32, #tpu.memory_space<hbm>> -> memref<128x16xf32, #tpu.memory_space<hbm>>
      %dma_start3A_69 = arith.constant 0 : i32
      %dma_start3A_70 = tpu.memref_slice %arg4[%add3A_66, %dma_start3A_69] : memref<524288x16xf32, #tpu.memory_space<hbm>> -> memref<128x16xf32, #tpu.memory_space<hbm>>
      tpu.enqueue_dma source(%arg7 : memref<128x16xf32, #tpu.memory_space<vmem>>) target(%dma_start3A_70 : memref<128x16xf32, #tpu.memory_space<hbm>>) target_semaphore(%arg11 : memref<!tpu.dma_semaphore, #tpu.memory_space<semaphore_mem>>)
    }
    %scan3A_11 = arith.constant 64 : i32
    %add3A_12 = arith.constant 16256 : i32
    %add3A_13 = arith.addi %mul3A_2, %add3A_12 : i32
    %dma_wait3A = arith.constant 0 : i32
    %dma_wait3A_14 = tpu.memref_slice %arg4[%add3A_13, %dma_wait3A] : memref<524288x16xf32, #tpu.memory_space<hbm>> -> memref<128x16xf32, #tpu.memory_space<hbm>>
    %dma_wait3A_15 = arith.constant 0 : i32
    %dma_wait3A_16 = tpu.memref_slice %arg4[%add3A_13, %dma_wait3A_15] : memref<524288x16xf32, #tpu.memory_space<hbm>> -> memref<128x16xf32, #tpu.memory_space<hbm>>
    tpu.wait_dma2 semaphore(%arg11 : memref<!tpu.dma_semaphore, #tpu.memory_space<semaphore_mem>>) src(%arg7 : memref<128x16xf32, #tpu.memory_space<vmem>>) dst(%dma_wait3A_16 : memref<128x16xf32, #tpu.memory_space<hbm>>)
    return
  }
}

#map = affine_map<(d0, d1) -> (0, 0)>
#map1 = affine_map<(d0, d1) -> (0)>
module attributes {stable_mosaic.version = 14 : i64} {
  func.func @body(%arg0: i32, %arg1: i32, %arg2: memref<32768x64xf32, #tpu.memory_space<hbm>>, %arg3: memref<524288xi32, #tpu.memory_space<hbm>>, %arg4: memref<524288x64xf32, #tpu.memory_space<hbm>>, %arg5: memref<16384xi32, #tpu.memory_space<vmem>>, %arg6: memref<128x64xf32, #tpu.memory_space<vmem>>, %arg7: memref<128x64xf32, #tpu.memory_space<vmem>>, %arg8: memref<!tpu.dma_semaphore, #tpu.memory_space<semaphore_mem>>, %arg9: memref<!tpu.dma_semaphore, #tpu.memory_space<semaphore_mem>>, %arg10: memref<!tpu.dma_semaphore, #tpu.memory_space<semaphore_mem>>, %arg11: memref<!tpu.dma_semaphore, #tpu.memory_space<semaphore_mem>>) attributes {dimension_semantics = [#tpu.dimension_semantics<core_parallel>, #tpu.dimension_semantics<subcore_parallel>], iteration_bounds = array<i64: 2, 16>, scalar_prefetch = 0 : i64, scratch_operands = 7 : i64, tpu.core_type = #tpu.core_type<sc_vector_subcore>, window_params = [{transform_indices = #map}, {transform_indices = #map1}, {transform_indices = #map}]} {
    %mul3A = arith.constant 2 : i32
    %mul3A_0 = arith.muli %arg1, %mul3A : i32
    %add3A = arith.addi %mul3A_0, %arg0 : i32
    %mul3A_1 = arith.constant 16384 : i32
    %mul3A_2 = arith.muli %add3A, %mul3A_1 : i32
    "tpu.region"() ({
      %run_scoped3A = tpu.sem_alloc : memref<!tpu.dma_semaphore, #tpu.memory_space<semaphore_mem>>
      %dma_start3A_17 = tpu.memref_slice %arg3[%mul3A_2] : memref<524288xi32, #tpu.memory_space<hbm>> -> memref<16384xi32, #tpu.memory_space<hbm>>
      %dma_start3A_18 = tpu.memref_slice %arg3[%mul3A_2] : memref<524288xi32, #tpu.memory_space<hbm>> -> memref<16384xi32, #tpu.memory_space<hbm>>
      tpu.enqueue_dma source(%dma_start3A_18 : memref<16384xi32, #tpu.memory_space<hbm>>) target(%arg5 : memref<16384xi32, #tpu.memory_space<vmem>>) target_semaphore(%run_scoped3A : memref<!tpu.dma_semaphore, #tpu.memory_space<semaphore_mem>>)
      %dma_wait3A_19 = tpu.memref_slice %arg3[%mul3A_2] : memref<524288xi32, #tpu.memory_space<hbm>> -> memref<16384xi32, #tpu.memory_space<hbm>>
      %dma_wait3A_20 = tpu.memref_slice %arg3[%mul3A_2] : memref<524288xi32, #tpu.memory_space<hbm>> -> memref<16384xi32, #tpu.memory_space<hbm>>
      tpu.wait_dma2 semaphore(%run_scoped3A : memref<!tpu.dma_semaphore, #tpu.memory_space<semaphore_mem>>) src(%dma_wait3A_20 : memref<16384xi32, #tpu.memory_space<hbm>>) dst(%arg5 : memref<16384xi32, #tpu.memory_space<vmem>>)
      tpu.yield
    }) : () -> ()
    %dma_start3A = arith.constant 0 : i32
    %dma_start3A_3 = tpu.memref_slice %arg5[%dma_start3A] : memref<16384xi32, #tpu.memory_space<vmem>> -> memref<128xi32, #tpu.memory_space<vmem>>
    %dma_start3A_4 = arith.constant 0 : i32
    %dma_start3A_5 = arith.constant 0 : i32
    %dma_start3A_6 = tpu.memref_slice %arg2[%dma_start3A_4, %dma_start3A_5] : memref<32768x64xf32, #tpu.memory_space<hbm>> -> memref<32768x64xf32, #tpu.memory_space<hbm>>
    tpu.enqueue_indirect_dma source(%dma_start3A_6 : memref<32768x64xf32, #tpu.memory_space<hbm>>) target(%arg6 : memref<128x64xf32, #tpu.memory_space<vmem>>) offsets(%dma_start3A_3 : memref<128xi32, #tpu.memory_space<vmem>>) semaphore(%arg8 : memref<!tpu.dma_semaphore, #tpu.memory_space<semaphore_mem>>)
    %scan3A = arith.constant 0 : i32
    %scan3A_7 = arith.constant 0 : i32
    %scan3A_8 = arith.constant 64 : i32
    %scan3A_9 = arith.addi %scan3A_7, %scan3A_8 : i32
    %scan3A_10 = arith.constant 1 : i32
    scf.for %scan3A_17 = %scan3A_7 to %scan3A_9 step %scan3A_10  : i32 {
      %mul3A_18 = arith.constant 2 : i32
      %mul3A_19 = arith.muli %mul3A_18, %scan3A_17 : i32
      %gt3A = arith.constant 0 : i32
      %gt3A_20 = arith.cmpi sgt, %scan3A_17, %gt3A : i32
      %convert_element_type3A = arith.extui %gt3A_20 : i1 to i32
      %cond3A = arith.constant 0 : i32
      %cond3A_21 = arith.cmpi ne, %convert_element_type3A, %cond3A : i32
      scf.if %cond3A_21 {
        %sub3A = arith.constant 1 : i32
        %sub3A_71 = arith.subi %mul3A_19, %sub3A : i32
        %mul3A_72 = arith.constant 128 : i32
        %mul3A_73 = arith.muli %sub3A_71, %mul3A_72 : i32
        %add3A_74 = arith.addi %mul3A_2, %mul3A_73 : i32
        %dma_wait3A_75 = arith.constant 0 : i32
        %dma_wait3A_76 = tpu.memref_slice %arg4[%add3A_74, %dma_wait3A_75] : memref<524288x64xf32, #tpu.memory_space<hbm>> -> memref<128x64xf32, #tpu.memory_space<hbm>>
        %dma_wait3A_77 = arith.constant 0 : i32
        %dma_wait3A_78 = tpu.memref_slice %arg4[%add3A_74, %dma_wait3A_77] : memref<524288x64xf32, #tpu.memory_space<hbm>> -> memref<128x64xf32, #tpu.memory_space<hbm>>
        tpu.wait_dma2 semaphore(%arg11 : memref<!tpu.dma_semaphore, #tpu.memory_space<semaphore_mem>>) src(%arg7 : memref<128x64xf32, #tpu.memory_space<vmem>>) dst(%dma_wait3A_78 : memref<128x64xf32, #tpu.memory_space<hbm>>)
      } else {
      }
      %add3A_22 = arith.constant 1 : i32
      %add3A_23 = arith.addi %mul3A_19, %add3A_22 : i32
      %mul3A_24 = arith.constant 128 : i32
      %mul3A_25 = arith.muli %add3A_23, %mul3A_24 : i32
      %dma_start3A_26 = tpu.memref_slice %arg5[%mul3A_25] : memref<16384xi32, #tpu.memory_space<vmem>> -> memref<128xi32, #tpu.memory_space<vmem>>
      %dma_start3A_27 = arith.constant 0 : i32
      %dma_start3A_28 = arith.constant 0 : i32
      %dma_start3A_29 = tpu.memref_slice %arg2[%dma_start3A_27, %dma_start3A_28] : memref<32768x64xf32, #tpu.memory_space<hbm>> -> memref<32768x64xf32, #tpu.memory_space<hbm>>
      tpu.enqueue_indirect_dma source(%dma_start3A_29 : memref<32768x64xf32, #tpu.memory_space<hbm>>) target(%arg7 : memref<128x64xf32, #tpu.memory_space<vmem>>) offsets(%dma_start3A_26 : memref<128xi32, #tpu.memory_space<vmem>>) semaphore(%arg9 : memref<!tpu.dma_semaphore, #tpu.memory_space<semaphore_mem>>)
      %mul3A_30 = arith.constant 128 : i32
      %mul3A_31 = arith.muli %mul3A_19, %mul3A_30 : i32
      %dma_wait3A_32 = tpu.memref_slice %arg5[%mul3A_31] : memref<16384xi32, #tpu.memory_space<vmem>> -> memref<128xi32, #tpu.memory_space<vmem>>
      %dma_wait3A_33 = arith.constant 0 : i32
      %dma_wait3A_34 = arith.constant 0 : i32
      %dma_wait3A_35 = tpu.memref_slice %arg2[%dma_wait3A_33, %dma_wait3A_34] : memref<32768x64xf32, #tpu.memory_space<hbm>> -> memref<32768x64xf32, #tpu.memory_space<hbm>>
      tpu.wait_indirect_dma semaphore(%arg8 : memref<!tpu.dma_semaphore, #tpu.memory_space<semaphore_mem>>) src(%dma_wait3A_35 : memref<32768x64xf32, #tpu.memory_space<hbm>>) dst(%arg6 : memref<128x64xf32, #tpu.memory_space<vmem>>)
      %mul3A_36 = arith.constant 128 : i32
      %mul3A_37 = arith.muli %mul3A_19, %mul3A_36 : i32
      %add3A_38 = arith.addi %mul3A_2, %mul3A_37 : i32
      %dma_start3A_39 = arith.constant 0 : i32
      %dma_start3A_40 = tpu.memref_slice %arg4[%add3A_38, %dma_start3A_39] : memref<524288x64xf32, #tpu.memory_space<hbm>> -> memref<128x64xf32, #tpu.memory_space<hbm>>
      %dma_start3A_41 = arith.constant 0 : i32
      %dma_start3A_42 = tpu.memref_slice %arg4[%add3A_38, %dma_start3A_41] : memref<524288x64xf32, #tpu.memory_space<hbm>> -> memref<128x64xf32, #tpu.memory_space<hbm>>
      tpu.enqueue_dma source(%arg6 : memref<128x64xf32, #tpu.memory_space<vmem>>) target(%dma_start3A_42 : memref<128x64xf32, #tpu.memory_space<hbm>>) target_semaphore(%arg10 : memref<!tpu.dma_semaphore, #tpu.memory_space<semaphore_mem>>)
      %mul3A_43 = arith.constant 128 : i32
      %mul3A_44 = arith.muli %mul3A_19, %mul3A_43 : i32
      %add3A_45 = arith.addi %mul3A_2, %mul3A_44 : i32
      %dma_wait3A_46 = arith.constant 0 : i32
      %dma_wait3A_47 = tpu.memref_slice %arg4[%add3A_45, %dma_wait3A_46] : memref<524288x64xf32, #tpu.memory_space<hbm>> -> memref<128x64xf32, #tpu.memory_space<hbm>>
      %dma_wait3A_48 = arith.constant 0 : i32
      %dma_wait3A_49 = tpu.memref_slice %arg4[%add3A_45, %dma_wait3A_48] : memref<524288x64xf32, #tpu.memory_space<hbm>> -> memref<128x64xf32, #tpu.memory_space<hbm>>
      tpu.wait_dma2 semaphore(%arg10 : memref<!tpu.dma_semaphore, #tpu.memory_space<semaphore_mem>>) src(%arg6 : memref<128x64xf32, #tpu.memory_space<vmem>>) dst(%dma_wait3A_49 : memref<128x64xf32, #tpu.memory_space<hbm>>)
      %lt3A = arith.constant 63 : i32
      %lt3A_50 = arith.cmpi slt, %scan3A_17, %lt3A : i32
      %convert_element_type3A_51 = arith.extui %lt3A_50 : i1 to i32
      %cond3A_52 = arith.constant 0 : i32
      %cond3A_53 = arith.cmpi ne, %convert_element_type3A_51, %cond3A_52 : i32
      scf.if %cond3A_53 {
        %add3A_71 = arith.constant 2 : i32
        %add3A_72 = arith.addi %mul3A_19, %add3A_71 : i32
        %mul3A_73 = arith.constant 128 : i32
        %mul3A_74 = arith.muli %add3A_72, %mul3A_73 : i32
        %dma_start3A_75 = tpu.memref_slice %arg5[%mul3A_74] : memref<16384xi32, #tpu.memory_space<vmem>> -> memref<128xi32, #tpu.memory_space<vmem>>
        %dma_start3A_76 = arith.constant 0 : i32
        %dma_start3A_77 = arith.constant 0 : i32
        %dma_start3A_78 = tpu.memref_slice %arg2[%dma_start3A_76, %dma_start3A_77] : memref<32768x64xf32, #tpu.memory_space<hbm>> -> memref<32768x64xf32, #tpu.memory_space<hbm>>
        tpu.enqueue_indirect_dma source(%dma_start3A_78 : memref<32768x64xf32, #tpu.memory_space<hbm>>) target(%arg6 : memref<128x64xf32, #tpu.memory_space<vmem>>) offsets(%dma_start3A_75 : memref<128xi32, #tpu.memory_space<vmem>>) semaphore(%arg8 : memref<!tpu.dma_semaphore, #tpu.memory_space<semaphore_mem>>)
      } else {
      }
      %add3A_54 = arith.constant 1 : i32
      %add3A_55 = arith.addi %mul3A_19, %add3A_54 : i32
      %mul3A_56 = arith.constant 128 : i32
      %mul3A_57 = arith.muli %add3A_55, %mul3A_56 : i32
      %dma_wait3A_58 = tpu.memref_slice %arg5[%mul3A_57] : memref<16384xi32, #tpu.memory_space<vmem>> -> memref<128xi32, #tpu.memory_space<vmem>>
      %dma_wait3A_59 = arith.constant 0 : i32
      %dma_wait3A_60 = arith.constant 0 : i32
      %dma_wait3A_61 = tpu.memref_slice %arg2[%dma_wait3A_59, %dma_wait3A_60] : memref<32768x64xf32, #tpu.memory_space<hbm>> -> memref<32768x64xf32, #tpu.memory_space<hbm>>
      tpu.wait_indirect_dma semaphore(%arg9 : memref<!tpu.dma_semaphore, #tpu.memory_space<semaphore_mem>>) src(%dma_wait3A_61 : memref<32768x64xf32, #tpu.memory_space<hbm>>) dst(%arg7 : memref<128x64xf32, #tpu.memory_space<vmem>>)
      %add3A_62 = arith.constant 1 : i32
      %add3A_63 = arith.addi %mul3A_19, %add3A_62 : i32
      %mul3A_64 = arith.constant 128 : i32
      %mul3A_65 = arith.muli %add3A_63, %mul3A_64 : i32
      %add3A_66 = arith.addi %mul3A_2, %mul3A_65 : i32
      %dma_start3A_67 = arith.constant 0 : i32
      %dma_start3A_68 = tpu.memref_slice %arg4[%add3A_66, %dma_start3A_67] : memref<524288x64xf32, #tpu.memory_space<hbm>> -> memref<128x64xf32, #tpu.memory_space<hbm>>
      %dma_start3A_69 = arith.constant 0 : i32
      %dma_start3A_70 = tpu.memref_slice %arg4[%add3A_66, %dma_start3A_69] : memref<524288x64xf32, #tpu.memory_space<hbm>> -> memref<128x64xf32, #tpu.memory_space<hbm>>
      tpu.enqueue_dma source(%arg7 : memref<128x64xf32, #tpu.memory_space<vmem>>) target(%dma_start3A_70 : memref<128x64xf32, #tpu.memory_space<hbm>>) target_semaphore(%arg11 : memref<!tpu.dma_semaphore, #tpu.memory_space<semaphore_mem>>)
    }
    %scan3A_11 = arith.constant 64 : i32
    %add3A_12 = arith.constant 16256 : i32
    %add3A_13 = arith.addi %mul3A_2, %add3A_12 : i32
    %dma_wait3A = arith.constant 0 : i32
    %dma_wait3A_14 = tpu.memref_slice %arg4[%add3A_13, %dma_wait3A] : memref<524288x64xf32, #tpu.memory_space<hbm>> -> memref<128x64xf32, #tpu.memory_space<hbm>>
    %dma_wait3A_15 = arith.constant 0 : i32
    %dma_wait3A_16 = tpu.memref_slice %arg4[%add3A_13, %dma_wait3A_15] : memref<524288x64xf32, #tpu.memory_space<hbm>> -> memref<128x64xf32, #tpu.memory_space<hbm>>
    tpu.wait_dma2 semaphore(%arg11 : memref<!tpu.dma_semaphore, #tpu.memory_space<semaphore_mem>>) src(%arg7 : memref<128x64xf32, #tpu.memory_space<vmem>>) dst(%dma_wait3A_16 : memref<128x64xf32, #tpu.memory_space<hbm>>)
    return
  }
}

#map = affine_map<(d0, d1) -> (0, 0)>
#map1 = affine_map<(d0, d1) -> (0)>
module attributes {stable_mosaic.version = 14 : i64} {
  func.func @body(%arg0: i32, %arg1: i32, %arg2: memref<32768x128xf32, #tpu.memory_space<hbm>>, %arg3: memref<524288xi32, #tpu.memory_space<hbm>>, %arg4: memref<524288x128xf32, #tpu.memory_space<hbm>>, %arg5: memref<16384xi32, #tpu.memory_space<vmem>>, %arg6: memref<128x128xf32, #tpu.memory_space<vmem>>, %arg7: memref<128x128xf32, #tpu.memory_space<vmem>>, %arg8: memref<!tpu.dma_semaphore, #tpu.memory_space<semaphore_mem>>, %arg9: memref<!tpu.dma_semaphore, #tpu.memory_space<semaphore_mem>>, %arg10: memref<!tpu.dma_semaphore, #tpu.memory_space<semaphore_mem>>, %arg11: memref<!tpu.dma_semaphore, #tpu.memory_space<semaphore_mem>>) attributes {dimension_semantics = [#tpu.dimension_semantics<core_parallel>, #tpu.dimension_semantics<subcore_parallel>], iteration_bounds = array<i64: 2, 16>, scalar_prefetch = 0 : i64, scratch_operands = 7 : i64, tpu.core_type = #tpu.core_type<sc_vector_subcore>, window_params = [{transform_indices = #map}, {transform_indices = #map1}, {transform_indices = #map}]} {
    %mul3A = arith.constant 2 : i32
    %mul3A_0 = arith.muli %arg1, %mul3A : i32
    %add3A = arith.addi %mul3A_0, %arg0 : i32
    %mul3A_1 = arith.constant 16384 : i32
    %mul3A_2 = arith.muli %add3A, %mul3A_1 : i32
    "tpu.region"() ({
      %run_scoped3A = tpu.sem_alloc : memref<!tpu.dma_semaphore, #tpu.memory_space<semaphore_mem>>
      %dma_start3A_17 = tpu.memref_slice %arg3[%mul3A_2] : memref<524288xi32, #tpu.memory_space<hbm>> -> memref<16384xi32, #tpu.memory_space<hbm>>
      %dma_start3A_18 = tpu.memref_slice %arg3[%mul3A_2] : memref<524288xi32, #tpu.memory_space<hbm>> -> memref<16384xi32, #tpu.memory_space<hbm>>
      tpu.enqueue_dma source(%dma_start3A_18 : memref<16384xi32, #tpu.memory_space<hbm>>) target(%arg5 : memref<16384xi32, #tpu.memory_space<vmem>>) target_semaphore(%run_scoped3A : memref<!tpu.dma_semaphore, #tpu.memory_space<semaphore_mem>>)
      %dma_wait3A_19 = tpu.memref_slice %arg3[%mul3A_2] : memref<524288xi32, #tpu.memory_space<hbm>> -> memref<16384xi32, #tpu.memory_space<hbm>>
      %dma_wait3A_20 = tpu.memref_slice %arg3[%mul3A_2] : memref<524288xi32, #tpu.memory_space<hbm>> -> memref<16384xi32, #tpu.memory_space<hbm>>
      tpu.wait_dma2 semaphore(%run_scoped3A : memref<!tpu.dma_semaphore, #tpu.memory_space<semaphore_mem>>) src(%dma_wait3A_20 : memref<16384xi32, #tpu.memory_space<hbm>>) dst(%arg5 : memref<16384xi32, #tpu.memory_space<vmem>>)
      tpu.yield
    }) : () -> ()
    %dma_start3A = arith.constant 0 : i32
    %dma_start3A_3 = tpu.memref_slice %arg5[%dma_start3A] : memref<16384xi32, #tpu.memory_space<vmem>> -> memref<128xi32, #tpu.memory_space<vmem>>
    %dma_start3A_4 = arith.constant 0 : i32
    %dma_start3A_5 = arith.constant 0 : i32
    %dma_start3A_6 = tpu.memref_slice %arg2[%dma_start3A_4, %dma_start3A_5] : memref<32768x128xf32, #tpu.memory_space<hbm>> -> memref<32768x128xf32, #tpu.memory_space<hbm>>
    tpu.enqueue_indirect_dma source(%dma_start3A_6 : memref<32768x128xf32, #tpu.memory_space<hbm>>) target(%arg6 : memref<128x128xf32, #tpu.memory_space<vmem>>) offsets(%dma_start3A_3 : memref<128xi32, #tpu.memory_space<vmem>>) semaphore(%arg8 : memref<!tpu.dma_semaphore, #tpu.memory_space<semaphore_mem>>)
    %scan3A = arith.constant 0 : i32
    %scan3A_7 = arith.constant 0 : i32
    %scan3A_8 = arith.constant 64 : i32
    %scan3A_9 = arith.addi %scan3A_7, %scan3A_8 : i32
    %scan3A_10 = arith.constant 1 : i32
    scf.for %scan3A_17 = %scan3A_7 to %scan3A_9 step %scan3A_10  : i32 {
      %mul3A_18 = arith.constant 2 : i32
      %mul3A_19 = arith.muli %mul3A_18, %scan3A_17 : i32
      %gt3A = arith.constant 0 : i32
      %gt3A_20 = arith.cmpi sgt, %scan3A_17, %gt3A : i32
      %convert_element_type3A = arith.extui %gt3A_20 : i1 to i32
      %cond3A = arith.constant 0 : i32
      %cond3A_21 = arith.cmpi ne, %convert_element_type3A, %cond3A : i32
      scf.if %cond3A_21 {
        %sub3A = arith.constant 1 : i32
        %sub3A_71 = arith.subi %mul3A_19, %sub3A : i32
        %mul3A_72 = arith.constant 128 : i32
        %mul3A_73 = arith.muli %sub3A_71, %mul3A_72 : i32
        %add3A_74 = arith.addi %mul3A_2, %mul3A_73 : i32
        %dma_wait3A_75 = arith.constant 0 : i32
        %dma_wait3A_76 = tpu.memref_slice %arg4[%add3A_74, %dma_wait3A_75] : memref<524288x128xf32, #tpu.memory_space<hbm>> -> memref<128x128xf32, #tpu.memory_space<hbm>>
        %dma_wait3A_77 = arith.constant 0 : i32
        %dma_wait3A_78 = tpu.memref_slice %arg4[%add3A_74, %dma_wait3A_77] : memref<524288x128xf32, #tpu.memory_space<hbm>> -> memref<128x128xf32, #tpu.memory_space<hbm>>
        tpu.wait_dma2 semaphore(%arg11 : memref<!tpu.dma_semaphore, #tpu.memory_space<semaphore_mem>>) src(%arg7 : memref<128x128xf32, #tpu.memory_space<vmem>>) dst(%dma_wait3A_78 : memref<128x128xf32, #tpu.memory_space<hbm>>)
      } else {
      }
      %add3A_22 = arith.constant 1 : i32
      %add3A_23 = arith.addi %mul3A_19, %add3A_22 : i32
      %mul3A_24 = arith.constant 128 : i32
      %mul3A_25 = arith.muli %add3A_23, %mul3A_24 : i32
      %dma_start3A_26 = tpu.memref_slice %arg5[%mul3A_25] : memref<16384xi32, #tpu.memory_space<vmem>> -> memref<128xi32, #tpu.memory_space<vmem>>
      %dma_start3A_27 = arith.constant 0 : i32
      %dma_start3A_28 = arith.constant 0 : i32
      %dma_start3A_29 = tpu.memref_slice %arg2[%dma_start3A_27, %dma_start3A_28] : memref<32768x128xf32, #tpu.memory_space<hbm>> -> memref<32768x128xf32, #tpu.memory_space<hbm>>
      tpu.enqueue_indirect_dma source(%dma_start3A_29 : memref<32768x128xf32, #tpu.memory_space<hbm>>) target(%arg7 : memref<128x128xf32, #tpu.memory_space<vmem>>) offsets(%dma_start3A_26 : memref<128xi32, #tpu.memory_space<vmem>>) semaphore(%arg9 : memref<!tpu.dma_semaphore, #tpu.memory_space<semaphore_mem>>)
      %mul3A_30 = arith.constant 128 : i32
      %mul3A_31 = arith.muli %mul3A_19, %mul3A_30 : i32
      %dma_wait3A_32 = tpu.memref_slice %arg5[%mul3A_31] : memref<16384xi32, #tpu.memory_space<vmem>> -> memref<128xi32, #tpu.memory_space<vmem>>
      %dma_wait3A_33 = arith.constant 0 : i32
      %dma_wait3A_34 = arith.constant 0 : i32
      %dma_wait3A_35 = tpu.memref_slice %arg2[%dma_wait3A_33, %dma_wait3A_34] : memref<32768x128xf32, #tpu.memory_space<hbm>> -> memref<32768x128xf32, #tpu.memory_space<hbm>>
      tpu.wait_indirect_dma semaphore(%arg8 : memref<!tpu.dma_semaphore, #tpu.memory_space<semaphore_mem>>) src(%dma_wait3A_35 : memref<32768x128xf32, #tpu.memory_space<hbm>>) dst(%arg6 : memref<128x128xf32, #tpu.memory_space<vmem>>)
      %mul3A_36 = arith.constant 128 : i32
      %mul3A_37 = arith.muli %mul3A_19, %mul3A_36 : i32
      %add3A_38 = arith.addi %mul3A_2, %mul3A_37 : i32
      %dma_start3A_39 = arith.constant 0 : i32
      %dma_start3A_40 = tpu.memref_slice %arg4[%add3A_38, %dma_start3A_39] : memref<524288x128xf32, #tpu.memory_space<hbm>> -> memref<128x128xf32, #tpu.memory_space<hbm>>
      %dma_start3A_41 = arith.constant 0 : i32
      %dma_start3A_42 = tpu.memref_slice %arg4[%add3A_38, %dma_start3A_41] : memref<524288x128xf32, #tpu.memory_space<hbm>> -> memref<128x128xf32, #tpu.memory_space<hbm>>
      tpu.enqueue_dma source(%arg6 : memref<128x128xf32, #tpu.memory_space<vmem>>) target(%dma_start3A_42 : memref<128x128xf32, #tpu.memory_space<hbm>>) target_semaphore(%arg10 : memref<!tpu.dma_semaphore, #tpu.memory_space<semaphore_mem>>)
      %mul3A_43 = arith.constant 128 : i32
      %mul3A_44 = arith.muli %mul3A_19, %mul3A_43 : i32
      %add3A_45 = arith.addi %mul3A_2, %mul3A_44 : i32
      %dma_wait3A_46 = arith.constant 0 : i32
      %dma_wait3A_47 = tpu.memref_slice %arg4[%add3A_45, %dma_wait3A_46] : memref<524288x128xf32, #tpu.memory_space<hbm>> -> memref<128x128xf32, #tpu.memory_space<hbm>>
      %dma_wait3A_48 = arith.constant 0 : i32
      %dma_wait3A_49 = tpu.memref_slice %arg4[%add3A_45, %dma_wait3A_48] : memref<524288x128xf32, #tpu.memory_space<hbm>> -> memref<128x128xf32, #tpu.memory_space<hbm>>
      tpu.wait_dma2 semaphore(%arg10 : memref<!tpu.dma_semaphore, #tpu.memory_space<semaphore_mem>>) src(%arg6 : memref<128x128xf32, #tpu.memory_space<vmem>>) dst(%dma_wait3A_49 : memref<128x128xf32, #tpu.memory_space<hbm>>)
      %lt3A = arith.constant 63 : i32
      %lt3A_50 = arith.cmpi slt, %scan3A_17, %lt3A : i32
      %convert_element_type3A_51 = arith.extui %lt3A_50 : i1 to i32
      %cond3A_52 = arith.constant 0 : i32
      %cond3A_53 = arith.cmpi ne, %convert_element_type3A_51, %cond3A_52 : i32
      scf.if %cond3A_53 {
        %add3A_71 = arith.constant 2 : i32
        %add3A_72 = arith.addi %mul3A_19, %add3A_71 : i32
        %mul3A_73 = arith.constant 128 : i32
        %mul3A_74 = arith.muli %add3A_72, %mul3A_73 : i32
        %dma_start3A_75 = tpu.memref_slice %arg5[%mul3A_74] : memref<16384xi32, #tpu.memory_space<vmem>> -> memref<128xi32, #tpu.memory_space<vmem>>
        %dma_start3A_76 = arith.constant 0 : i32
        %dma_start3A_77 = arith.constant 0 : i32
        %dma_start3A_78 = tpu.memref_slice %arg2[%dma_start3A_76, %dma_start3A_77] : memref<32768x128xf32, #tpu.memory_space<hbm>> -> memref<32768x128xf32, #tpu.memory_space<hbm>>
        tpu.enqueue_indirect_dma source(%dma_start3A_78 : memref<32768x128xf32, #tpu.memory_space<hbm>>) target(%arg6 : memref<128x128xf32, #tpu.memory_space<vmem>>) offsets(%dma_start3A_75 : memref<128xi32, #tpu.memory_space<vmem>>) semaphore(%arg8 : memref<!tpu.dma_semaphore, #tpu.memory_space<semaphore_mem>>)
      } else {
      }
      %add3A_54 = arith.constant 1 : i32
      %add3A_55 = arith.addi %mul3A_19, %add3A_54 : i32
      %mul3A_56 = arith.constant 128 : i32
      %mul3A_57 = arith.muli %add3A_55, %mul3A_56 : i32
      %dma_wait3A_58 = tpu.memref_slice %arg5[%mul3A_57] : memref<16384xi32, #tpu.memory_space<vmem>> -> memref<128xi32, #tpu.memory_space<vmem>>
      %dma_wait3A_59 = arith.constant 0 : i32
      %dma_wait3A_60 = arith.constant 0 : i32
      %dma_wait3A_61 = tpu.memref_slice %arg2[%dma_wait3A_59, %dma_wait3A_60] : memref<32768x128xf32, #tpu.memory_space<hbm>> -> memref<32768x128xf32, #tpu.memory_space<hbm>>
      tpu.wait_indirect_dma semaphore(%arg9 : memref<!tpu.dma_semaphore, #tpu.memory_space<semaphore_mem>>) src(%dma_wait3A_61 : memref<32768x128xf32, #tpu.memory_space<hbm>>) dst(%arg7 : memref<128x128xf32, #tpu.memory_space<vmem>>)
      %add3A_62 = arith.constant 1 : i32
      %add3A_63 = arith.addi %mul3A_19, %add3A_62 : i32
      %mul3A_64 = arith.constant 128 : i32
      %mul3A_65 = arith.muli %add3A_63, %mul3A_64 : i32
      %add3A_66 = arith.addi %mul3A_2, %mul3A_65 : i32
      %dma_start3A_67 = arith.constant 0 : i32
      %dma_start3A_68 = tpu.memref_slice %arg4[%add3A_66, %dma_start3A_67] : memref<524288x128xf32, #tpu.memory_space<hbm>> -> memref<128x128xf32, #tpu.memory_space<hbm>>
      %dma_start3A_69 = arith.constant 0 : i32
      %dma_start3A_70 = tpu.memref_slice %arg4[%add3A_66, %dma_start3A_69] : memref<524288x128xf32, #tpu.memory_space<hbm>> -> memref<128x128xf32, #tpu.memory_space<hbm>>
      tpu.enqueue_dma source(%arg7 : memref<128x128xf32, #tpu.memory_space<vmem>>) target(%dma_start3A_70 : memref<128x128xf32, #tpu.memory_space<hbm>>) target_semaphore(%arg11 : memref<!tpu.dma_semaphore, #tpu.memory_space<semaphore_mem>>)
    }
    %scan3A_11 = arith.constant 64 : i32
    %add3A_12 = arith.constant 16256 : i32
    %add3A_13 = arith.addi %mul3A_2, %add3A_12 : i32
    %dma_wait3A = arith.constant 0 : i32
    %dma_wait3A_14 = tpu.memref_slice %arg4[%add3A_13, %dma_wait3A] : memref<524288x128xf32, #tpu.memory_space<hbm>> -> memref<128x128xf32, #tpu.memory_space<hbm>>
    %dma_wait3A_15 = arith.constant 0 : i32
    %dma_wait3A_16 = tpu.memref_slice %arg4[%add3A_13, %dma_wait3A_15] : memref<524288x128xf32, #tpu.memory_space<hbm>> -> memref<128x128xf32, #tpu.memory_space<hbm>>
    tpu.wait_dma2 semaphore(%arg11 : memref<!tpu.dma_semaphore, #tpu.memory_space<semaphore_mem>>) src(%arg7 : memref<128x128xf32, #tpu.memory_space<vmem>>) dst(%dma_wait3A_16 : memref<128x128xf32, #tpu.memory_space<hbm>>)
    return
  }
}

module attributes {stable_mosaic.version = 14 : i64} {
  func.func @_knn_body(%arg0: i32, %arg1: i32, %arg2: memref<1x512x3xf32, #tpu.memory_space<vmem>>, %arg3: memref<1x3x2048xf32, #tpu.memory_space<vmem>>, %arg4: memref<512x16xi32, #tpu.memory_space<vmem>>) attributes {dimension_semantics = [#tpu.dimension_semantics<arbitrary>, #tpu.dimension_semantics<arbitrary>], iteration_bounds = array<i64: 16, 4>, scalar_prefetch = 0 : i64, scratch_operands = 0 : i64, tpu.core_type = #tpu.core_type<tc>, window_params = [{transform_indices = @transform_0, window_bounds = array<i64: 1, 512, 3>}, {transform_indices = @transform_1, window_bounds = array<i64: 1, 3, 2048>}, {transform_indices = @transform_2, window_bounds = array<i64: 512, 16>}]} {
    %get3A = arith.constant 0 : index
    %get3A_0 = arith.constant 0 : index
    %get3A_1 = arith.constant 0 : index
    %get3A_2 = vector.load %arg2[%get3A, %get3A_0, %get3A_1] : memref<1x512x3xf32, #tpu.memory_space<vmem>>, vector<1x512x3xf32>
    %get3A_3 = vector.shape_cast %get3A_2 : vector<1x512x3xf32> to vector<512x3xf32>
    %get3A_4 = arith.constant 0 : index
    %get3A_5 = arith.constant 0 : index
    %get3A_6 = arith.constant 0 : index
    %get3A_7 = vector.load %arg3[%get3A_4, %get3A_5, %get3A_6] : memref<1x3x2048xf32, #tpu.memory_space<vmem>>, vector<1x3x2048xf32>
    %get3A_8 = vector.shape_cast %get3A_7 : vector<1x3x2048xf32> to vector<3x2048xf32>
    %mul3A = arith.mulf %get3A_3, %get3A_3 : vector<512x3xf32>
    %reduce_sum3A = arith.constant dense<0.000000e+00> : vector<512xf32>
    %reduce_sum3A_9 = vector.multi_reduction <add>, %mul3A, %reduce_sum3A [1] : vector<512x3xf32> to vector<512xf32>
    %broadcast_in_dim3A = vector.shape_cast %reduce_sum3A_9 : vector<512xf32> to vector<512x1xf32>
    %mul3A_10 = arith.mulf %get3A_8, %get3A_8 : vector<3x2048xf32>
    %reduce_sum3A_11 = arith.constant dense<0.000000e+00> : vector<2048xf32>
    %reduce_sum3A_12 = vector.multi_reduction <add>, %mul3A_10, %reduce_sum3A_11 [0] : vector<3x2048xf32> to vector<2048xf32>
    %broadcast_in_dim3A_13 = vector.shape_cast %reduce_sum3A_12 : vector<2048xf32> to vector<1x2048xf32>
    %convert_element_type3A = arith.truncf %get3A_3 : vector<512x3xf32> to vector<512x3xbf16>
    %convert_element_type3A_14 = arith.extf %convert_element_type3A : vector<512x3xbf16> to vector<512x3xf32>
    %convert_element_type3A_15 = arith.truncf %get3A_8 : vector<3x2048xf32> to vector<3x2048xbf16>
    %convert_element_type3A_16 = arith.extf %convert_element_type3A_15 : vector<3x2048xbf16> to vector<3x2048xf32>
    %slice3A = vector.extract_strided_slice %convert_element_type3A_14 {offsets = [0, 0], sizes = [512, 1], strides = [1, 1]} : vector<512x3xf32> to vector<512x1xf32>
    %slice3A_17 = vector.extract_strided_slice %convert_element_type3A_16 {offsets = [0, 0], sizes = [1, 2048], strides = [1, 1]} : vector<3x2048xf32> to vector<1x2048xf32>
    %mul3A_18 = vector.broadcast %slice3A : vector<512x1xf32> to vector<512x2048xf32>
    %mul3A_19 = vector.broadcast %slice3A_17 : vector<1x2048xf32> to vector<512x2048xf32>
    %mul3A_20 = arith.mulf %mul3A_18, %mul3A_19 : vector<512x2048xf32>
    %slice3A_21 = vector.extract_strided_slice %convert_element_type3A_14 {offsets = [0, 1], sizes = [512, 1], strides = [1, 1]} : vector<512x3xf32> to vector<512x1xf32>
    %slice3A_22 = vector.extract_strided_slice %convert_element_type3A_16 {offsets = [1, 0], sizes = [1, 2048], strides = [1, 1]} : vector<3x2048xf32> to vector<1x2048xf32>
    %mul3A_23 = vector.broadcast %slice3A_21 : vector<512x1xf32> to vector<512x2048xf32>
    %mul3A_24 = vector.broadcast %slice3A_22 : vector<1x2048xf32> to vector<512x2048xf32>
    %mul3A_25 = arith.mulf %mul3A_23, %mul3A_24 : vector<512x2048xf32>
    %add3A = arith.addf %mul3A_20, %mul3A_25 : vector<512x2048xf32>
    %slice3A_26 = vector.extract_strided_slice %convert_element_type3A_14 {offsets = [0, 2], sizes = [512, 1], strides = [1, 1]} : vector<512x3xf32> to vector<512x1xf32>
    %slice3A_27 = vector.extract_strided_slice %convert_element_type3A_16 {offsets = [2, 0], sizes = [1, 2048], strides = [1, 1]} : vector<3x2048xf32> to vector<1x2048xf32>
    %mul3A_28 = vector.broadcast %slice3A_26 : vector<512x1xf32> to vector<512x2048xf32>
    %mul3A_29 = vector.broadcast %slice3A_27 : vector<1x2048xf32> to vector<512x2048xf32>
    %mul3A_30 = arith.mulf %mul3A_28, %mul3A_29 : vector<512x2048xf32>
    %add3A_31 = arith.addf %add3A, %mul3A_30 : vector<512x2048xf32>
    %mul3A_32 = arith.constant 2.000000e+00 : f32
    %mul3A_33 = vector.broadcast %mul3A_32 : f32 to vector<512x2048xf32>
    %mul3A_34 = arith.mulf %mul3A_33, %add3A_31 : vector<512x2048xf32>
    %sub3A = vector.broadcast %broadcast_in_dim3A : vector<512x1xf32> to vector<512x2048xf32>
    %sub3A_35 = arith.subf %sub3A, %mul3A_34 : vector<512x2048xf32>
    %add3A_36 = vector.broadcast %broadcast_in_dim3A_13 : vector<1x2048xf32> to vector<512x2048xf32>
    %add3A_37 = arith.addf %sub3A_35, %add3A_36 : vector<512x2048xf32>
    %iota3A = tpu.iota {dimensions = array<i32: 1>} : vector<512x2048xi32>
    %reduce_min3A = arith.constant dense<0x7F800000> : vector<512xf32>
    %reduce_min3A_38 = vector.multi_reduction <minimumf>, %add3A_37, %reduce_min3A [1] : vector<512x2048xf32> to vector<512xf32>
    %broadcast_in_dim3A_39 = vector.shape_cast %reduce_min3A_38 : vector<512xf32> to vector<512x1xf32>
    %eq3A = vector.broadcast %broadcast_in_dim3A_39 : vector<512x1xf32> to vector<512x2048xf32>
    %eq3A_40 = arith.cmpf oeq, %add3A_37, %eq3A : vector<512x2048xf32>
    %jit3A = arith.constant 2147483647 : i32
    %broadcast_in_dim3A_41 = vector.broadcast %jit3A : i32 to vector<512x2048xi32>
    %select_n3A = arith.select %eq3A_40, %iota3A, %broadcast_in_dim3A_41 : vector<512x2048xi1>, vector<512x2048xi32>
    %reduce_min3A_42 = arith.constant dense<2147483647> : vector<512xi32>
    %reduce_min3A_43 = vector.multi_reduction <minsi>, %select_n3A, %reduce_min3A_42 [1] : vector<512x2048xi32> to vector<512xi32>
    %broadcast_in_dim3A_44 = vector.shape_cast %reduce_min3A_43 : vector<512xi32> to vector<512x1xi32>
    %eq3A_45 = vector.broadcast %broadcast_in_dim3A_44 : vector<512x1xi32> to vector<512x2048xi32>
    %eq3A_46 = arith.cmpi eq, %iota3A, %eq3A_45 : vector<512x2048xi32>
    %jit3A_47 = arith.constant 0x7F800000 : f32
    %broadcast_in_dim3A_48 = vector.broadcast %jit3A_47 : f32 to vector<512x2048xf32>
    %select_n3A_49 = arith.select %eq3A_46, %broadcast_in_dim3A_48, %add3A_37 : vector<512x2048xi1>, vector<512x2048xf32>
    %reduce_min3A_50 = arith.constant dense<0x7F800000> : vector<512xf32>
    %reduce_min3A_51 = vector.multi_reduction <minimumf>, %select_n3A_49, %reduce_min3A_50 [1] : vector<512x2048xf32> to vector<512xf32>
    %broadcast_in_dim3A_52 = vector.shape_cast %reduce_min3A_51 : vector<512xf32> to vector<512x1xf32>
    %eq3A_53 = vector.broadcast %broadcast_in_dim3A_52 : vector<512x1xf32> to vector<512x2048xf32>
    %eq3A_54 = arith.cmpf oeq, %select_n3A_49, %eq3A_53 : vector<512x2048xf32>
    %jit3A_55 = arith.constant 2147483647 : i32
    %broadcast_in_dim3A_56 = vector.broadcast %jit3A_55 : i32 to vector<512x2048xi32>
    %select_n3A_57 = arith.select %eq3A_54, %iota3A, %broadcast_in_dim3A_56 : vector<512x2048xi1>, vector<512x2048xi32>
    %reduce_min3A_58 = arith.constant dense<2147483647> : vector<512xi32>
    %reduce_min3A_59 = vector.multi_reduction <minsi>, %select_n3A_57, %reduce_min3A_58 [1] : vector<512x2048xi32> to vector<512xi32>
    %broadcast_in_dim3A_60 = vector.shape_cast %reduce_min3A_59 : vector<512xi32> to vector<512x1xi32>
    %eq3A_61 = vector.broadcast %broadcast_in_dim3A_60 : vector<512x1xi32> to vector<512x2048xi32>
    %eq3A_62 = arith.cmpi eq, %iota3A, %eq3A_61 : vector<512x2048xi32>
    %jit3A_63 = arith.constant 0x7F800000 : f32
    %broadcast_in_dim3A_64 = vector.broadcast %jit3A_63 : f32 to vector<512x2048xf32>
    %select_n3A_65 = arith.select %eq3A_62, %broadcast_in_dim3A_64, %select_n3A_49 : vector<512x2048xi1>, vector<512x2048xf32>
    %reduce_min3A_66 = arith.constant dense<0x7F800000> : vector<512xf32>
    %reduce_min3A_67 = vector.multi_reduction <minimumf>, %select_n3A_65, %reduce_min3A_66 [1] : vector<512x2048xf32> to vector<512xf32>
    %broadcast_in_dim3A_68 = vector.shape_cast %reduce_min3A_67 : vector<512xf32> to vector<512x1xf32>
    %eq3A_69 = vector.broadcast %broadcast_in_dim3A_68 : vector<512x1xf32> to vector<512x2048xf32>
    %eq3A_70 = arith.cmpf oeq, %select_n3A_65, %eq3A_69 : vector<512x2048xf32>
    %jit3A_71 = arith.constant 2147483647 : i32
    %broadcast_in_dim3A_72 = vector.broadcast %jit3A_71 : i32 to vector<512x2048xi32>
    %select_n3A_73 = arith.select %eq3A_70, %iota3A, %broadcast_in_dim3A_72 : vector<512x2048xi1>, vector<512x2048xi32>
    %reduce_min3A_74 = arith.constant dense<2147483647> : vector<512xi32>
    %reduce_min3A_75 = vector.multi_reduction <minsi>, %select_n3A_73, %reduce_min3A_74 [1] : vector<512x2048xi32> to vector<512xi32>
    %broadcast_in_dim3A_76 = vector.shape_cast %reduce_min3A_75 : vector<512xi32> to vector<512x1xi32>
    %eq3A_77 = vector.broadcast %broadcast_in_dim3A_76 : vector<512x1xi32> to vector<512x2048xi32>
    %eq3A_78 = arith.cmpi eq, %iota3A, %eq3A_77 : vector<512x2048xi32>
    %jit3A_79 = arith.constant 0x7F800000 : f32
    %broadcast_in_dim3A_80 = vector.broadcast %jit3A_79 : f32 to vector<512x2048xf32>
    %select_n3A_81 = arith.select %eq3A_78, %broadcast_in_dim3A_80, %select_n3A_65 : vector<512x2048xi1>, vector<512x2048xf32>
    %reduce_min3A_82 = arith.constant dense<0x7F800000> : vector<512xf32>
    %reduce_min3A_83 = vector.multi_reduction <minimumf>, %select_n3A_81, %reduce_min3A_82 [1] : vector<512x2048xf32> to vector<512xf32>
    %broadcast_in_dim3A_84 = vector.shape_cast %reduce_min3A_83 : vector<512xf32> to vector<512x1xf32>
    %eq3A_85 = vector.broadcast %broadcast_in_dim3A_84 : vector<512x1xf32> to vector<512x2048xf32>
    %eq3A_86 = arith.cmpf oeq, %select_n3A_81, %eq3A_85 : vector<512x2048xf32>
    %jit3A_87 = arith.constant 2147483647 : i32
    %broadcast_in_dim3A_88 = vector.broadcast %jit3A_87 : i32 to vector<512x2048xi32>
    %select_n3A_89 = arith.select %eq3A_86, %iota3A, %broadcast_in_dim3A_88 : vector<512x2048xi1>, vector<512x2048xi32>
    %reduce_min3A_90 = arith.constant dense<2147483647> : vector<512xi32>
    %reduce_min3A_91 = vector.multi_reduction <minsi>, %select_n3A_89, %reduce_min3A_90 [1] : vector<512x2048xi32> to vector<512xi32>
    %broadcast_in_dim3A_92 = vector.shape_cast %reduce_min3A_91 : vector<512xi32> to vector<512x1xi32>
    %eq3A_93 = vector.broadcast %broadcast_in_dim3A_92 : vector<512x1xi32> to vector<512x2048xi32>
    %eq3A_94 = arith.cmpi eq, %iota3A, %eq3A_93 : vector<512x2048xi32>
    %jit3A_95 = arith.constant 0x7F800000 : f32
    %broadcast_in_dim3A_96 = vector.broadcast %jit3A_95 : f32 to vector<512x2048xf32>
    %select_n3A_97 = arith.select %eq3A_94, %broadcast_in_dim3A_96, %select_n3A_81 : vector<512x2048xi1>, vector<512x2048xf32>
    %reduce_min3A_98 = arith.constant dense<0x7F800000> : vector<512xf32>
    %reduce_min3A_99 = vector.multi_reduction <minimumf>, %select_n3A_97, %reduce_min3A_98 [1] : vector<512x2048xf32> to vector<512xf32>
    %broadcast_in_dim3A_100 = vector.shape_cast %reduce_min3A_99 : vector<512xf32> to vector<512x1xf32>
    %eq3A_101 = vector.broadcast %broadcast_in_dim3A_100 : vector<512x1xf32> to vector<512x2048xf32>
    %eq3A_102 = arith.cmpf oeq, %select_n3A_97, %eq3A_101 : vector<512x2048xf32>
    %jit3A_103 = arith.constant 2147483647 : i32
    %broadcast_in_dim3A_104 = vector.broadcast %jit3A_103 : i32 to vector<512x2048xi32>
    %select_n3A_105 = arith.select %eq3A_102, %iota3A, %broadcast_in_dim3A_104 : vector<512x2048xi1>, vector<512x2048xi32>
    %reduce_min3A_106 = arith.constant dense<2147483647> : vector<512xi32>
    %reduce_min3A_107 = vector.multi_reduction <minsi>, %select_n3A_105, %reduce_min3A_106 [1] : vector<512x2048xi32> to vector<512xi32>
    %broadcast_in_dim3A_108 = vector.shape_cast %reduce_min3A_107 : vector<512xi32> to vector<512x1xi32>
    %eq3A_109 = vector.broadcast %broadcast_in_dim3A_108 : vector<512x1xi32> to vector<512x2048xi32>
    %eq3A_110 = arith.cmpi eq, %iota3A, %eq3A_109 : vector<512x2048xi32>
    %jit3A_111 = arith.constant 0x7F800000 : f32
    %broadcast_in_dim3A_112 = vector.broadcast %jit3A_111 : f32 to vector<512x2048xf32>
    %select_n3A_113 = arith.select %eq3A_110, %broadcast_in_dim3A_112, %select_n3A_97 : vector<512x2048xi1>, vector<512x2048xf32>
    %reduce_min3A_114 = arith.constant dense<0x7F800000> : vector<512xf32>
    %reduce_min3A_115 = vector.multi_reduction <minimumf>, %select_n3A_113, %reduce_min3A_114 [1] : vector<512x2048xf32> to vector<512xf32>
    %broadcast_in_dim3A_116 = vector.shape_cast %reduce_min3A_115 : vector<512xf32> to vector<512x1xf32>
    %eq3A_117 = vector.broadcast %broadcast_in_dim3A_116 : vector<512x1xf32> to vector<512x2048xf32>
    %eq3A_118 = arith.cmpf oeq, %select_n3A_113, %eq3A_117 : vector<512x2048xf32>
    %jit3A_119 = arith.constant 2147483647 : i32
    %broadcast_in_dim3A_120 = vector.broadcast %jit3A_119 : i32 to vector<512x2048xi32>
    %select_n3A_121 = arith.select %eq3A_118, %iota3A, %broadcast_in_dim3A_120 : vector<512x2048xi1>, vector<512x2048xi32>
    %reduce_min3A_122 = arith.constant dense<2147483647> : vector<512xi32>
    %reduce_min3A_123 = vector.multi_reduction <minsi>, %select_n3A_121, %reduce_min3A_122 [1] : vector<512x2048xi32> to vector<512xi32>
    %broadcast_in_dim3A_124 = vector.shape_cast %reduce_min3A_123 : vector<512xi32> to vector<512x1xi32>
    %eq3A_125 = vector.broadcast %broadcast_in_dim3A_124 : vector<512x1xi32> to vector<512x2048xi32>
    %eq3A_126 = arith.cmpi eq, %iota3A, %eq3A_125 : vector<512x2048xi32>
    %jit3A_127 = arith.constant 0x7F800000 : f32
    %broadcast_in_dim3A_128 = vector.broadcast %jit3A_127 : f32 to vector<512x2048xf32>
    %select_n3A_129 = arith.select %eq3A_126, %broadcast_in_dim3A_128, %select_n3A_113 : vector<512x2048xi1>, vector<512x2048xf32>
    %reduce_min3A_130 = arith.constant dense<0x7F800000> : vector<512xf32>
    %reduce_min3A_131 = vector.multi_reduction <minimumf>, %select_n3A_129, %reduce_min3A_130 [1] : vector<512x2048xf32> to vector<512xf32>
    %broadcast_in_dim3A_132 = vector.shape_cast %reduce_min3A_131 : vector<512xf32> to vector<512x1xf32>
    %eq3A_133 = vector.broadcast %broadcast_in_dim3A_132 : vector<512x1xf32> to vector<512x2048xf32>
    %eq3A_134 = arith.cmpf oeq, %select_n3A_129, %eq3A_133 : vector<512x2048xf32>
    %jit3A_135 = arith.constant 2147483647 : i32
    %broadcast_in_dim3A_136 = vector.broadcast %jit3A_135 : i32 to vector<512x2048xi32>
    %select_n3A_137 = arith.select %eq3A_134, %iota3A, %broadcast_in_dim3A_136 : vector<512x2048xi1>, vector<512x2048xi32>
    %reduce_min3A_138 = arith.constant dense<2147483647> : vector<512xi32>
    %reduce_min3A_139 = vector.multi_reduction <minsi>, %select_n3A_137, %reduce_min3A_138 [1] : vector<512x2048xi32> to vector<512xi32>
    %broadcast_in_dim3A_140 = vector.shape_cast %reduce_min3A_139 : vector<512xi32> to vector<512x1xi32>
    %eq3A_141 = vector.broadcast %broadcast_in_dim3A_140 : vector<512x1xi32> to vector<512x2048xi32>
    %eq3A_142 = arith.cmpi eq, %iota3A, %eq3A_141 : vector<512x2048xi32>
    %jit3A_143 = arith.constant 0x7F800000 : f32
    %broadcast_in_dim3A_144 = vector.broadcast %jit3A_143 : f32 to vector<512x2048xf32>
    %select_n3A_145 = arith.select %eq3A_142, %broadcast_in_dim3A_144, %select_n3A_129 : vector<512x2048xi1>, vector<512x2048xf32>
    %reduce_min3A_146 = arith.constant dense<0x7F800000> : vector<512xf32>
    %reduce_min3A_147 = vector.multi_reduction <minimumf>, %select_n3A_145, %reduce_min3A_146 [1] : vector<512x2048xf32> to vector<512xf32>
    %broadcast_in_dim3A_148 = vector.shape_cast %reduce_min3A_147 : vector<512xf32> to vector<512x1xf32>
    %eq3A_149 = vector.broadcast %broadcast_in_dim3A_148 : vector<512x1xf32> to vector<512x2048xf32>
    %eq3A_150 = arith.cmpf oeq, %select_n3A_145, %eq3A_149 : vector<512x2048xf32>
    %jit3A_151 = arith.constant 2147483647 : i32
    %broadcast_in_dim3A_152 = vector.broadcast %jit3A_151 : i32 to vector<512x2048xi32>
    %select_n3A_153 = arith.select %eq3A_150, %iota3A, %broadcast_in_dim3A_152 : vector<512x2048xi1>, vector<512x2048xi32>
    %reduce_min3A_154 = arith.constant dense<2147483647> : vector<512xi32>
    %reduce_min3A_155 = vector.multi_reduction <minsi>, %select_n3A_153, %reduce_min3A_154 [1] : vector<512x2048xi32> to vector<512xi32>
    %broadcast_in_dim3A_156 = vector.shape_cast %reduce_min3A_155 : vector<512xi32> to vector<512x1xi32>
    %eq3A_157 = vector.broadcast %broadcast_in_dim3A_156 : vector<512x1xi32> to vector<512x2048xi32>
    %eq3A_158 = arith.cmpi eq, %iota3A, %eq3A_157 : vector<512x2048xi32>
    %jit3A_159 = arith.constant 0x7F800000 : f32
    %broadcast_in_dim3A_160 = vector.broadcast %jit3A_159 : f32 to vector<512x2048xf32>
    %select_n3A_161 = arith.select %eq3A_158, %broadcast_in_dim3A_160, %select_n3A_145 : vector<512x2048xi1>, vector<512x2048xf32>
    %reduce_min3A_162 = arith.constant dense<0x7F800000> : vector<512xf32>
    %reduce_min3A_163 = vector.multi_reduction <minimumf>, %select_n3A_161, %reduce_min3A_162 [1] : vector<512x2048xf32> to vector<512xf32>
    %broadcast_in_dim3A_164 = vector.shape_cast %reduce_min3A_163 : vector<512xf32> to vector<512x1xf32>
    %eq3A_165 = vector.broadcast %broadcast_in_dim3A_164 : vector<512x1xf32> to vector<512x2048xf32>
    %eq3A_166 = arith.cmpf oeq, %select_n3A_161, %eq3A_165 : vector<512x2048xf32>
    %jit3A_167 = arith.constant 2147483647 : i32
    %broadcast_in_dim3A_168 = vector.broadcast %jit3A_167 : i32 to vector<512x2048xi32>
    %select_n3A_169 = arith.select %eq3A_166, %iota3A, %broadcast_in_dim3A_168 : vector<512x2048xi1>, vector<512x2048xi32>
    %reduce_min3A_170 = arith.constant dense<2147483647> : vector<512xi32>
    %reduce_min3A_171 = vector.multi_reduction <minsi>, %select_n3A_169, %reduce_min3A_170 [1] : vector<512x2048xi32> to vector<512xi32>
    %broadcast_in_dim3A_172 = vector.shape_cast %reduce_min3A_171 : vector<512xi32> to vector<512x1xi32>
    %eq3A_173 = vector.broadcast %broadcast_in_dim3A_172 : vector<512x1xi32> to vector<512x2048xi32>
    %eq3A_174 = arith.cmpi eq, %iota3A, %eq3A_173 : vector<512x2048xi32>
    %jit3A_175 = arith.constant 0x7F800000 : f32
    %broadcast_in_dim3A_176 = vector.broadcast %jit3A_175 : f32 to vector<512x2048xf32>
    %select_n3A_177 = arith.select %eq3A_174, %broadcast_in_dim3A_176, %select_n3A_161 : vector<512x2048xi1>, vector<512x2048xf32>
    %reduce_min3A_178 = arith.constant dense<0x7F800000> : vector<512xf32>
    %reduce_min3A_179 = vector.multi_reduction <minimumf>, %select_n3A_177, %reduce_min3A_178 [1] : vector<512x2048xf32> to vector<512xf32>
    %broadcast_in_dim3A_180 = vector.shape_cast %reduce_min3A_179 : vector<512xf32> to vector<512x1xf32>
    %eq3A_181 = vector.broadcast %broadcast_in_dim3A_180 : vector<512x1xf32> to vector<512x2048xf32>
    %eq3A_182 = arith.cmpf oeq, %select_n3A_177, %eq3A_181 : vector<512x2048xf32>
    %jit3A_183 = arith.constant 2147483647 : i32
    %broadcast_in_dim3A_184 = vector.broadcast %jit3A_183 : i32 to vector<512x2048xi32>
    %select_n3A_185 = arith.select %eq3A_182, %iota3A, %broadcast_in_dim3A_184 : vector<512x2048xi1>, vector<512x2048xi32>
    %reduce_min3A_186 = arith.constant dense<2147483647> : vector<512xi32>
    %reduce_min3A_187 = vector.multi_reduction <minsi>, %select_n3A_185, %reduce_min3A_186 [1] : vector<512x2048xi32> to vector<512xi32>
    %broadcast_in_dim3A_188 = vector.shape_cast %reduce_min3A_187 : vector<512xi32> to vector<512x1xi32>
    %eq3A_189 = vector.broadcast %broadcast_in_dim3A_188 : vector<512x1xi32> to vector<512x2048xi32>
    %eq3A_190 = arith.cmpi eq, %iota3A, %eq3A_189 : vector<512x2048xi32>
    %jit3A_191 = arith.constant 0x7F800000 : f32
    %broadcast_in_dim3A_192 = vector.broadcast %jit3A_191 : f32 to vector<512x2048xf32>
    %select_n3A_193 = arith.select %eq3A_190, %broadcast_in_dim3A_192, %select_n3A_177 : vector<512x2048xi1>, vector<512x2048xf32>
    %reduce_min3A_194 = arith.constant dense<0x7F800000> : vector<512xf32>
    %reduce_min3A_195 = vector.multi_reduction <minimumf>, %select_n3A_193, %reduce_min3A_194 [1] : vector<512x2048xf32> to vector<512xf32>
    %broadcast_in_dim3A_196 = vector.shape_cast %reduce_min3A_195 : vector<512xf32> to vector<512x1xf32>
    %eq3A_197 = vector.broadcast %broadcast_in_dim3A_196 : vector<512x1xf32> to vector<512x2048xf32>
    %eq3A_198 = arith.cmpf oeq, %select_n3A_193, %eq3A_197 : vector<512x2048xf32>
    %jit3A_199 = arith.constant 2147483647 : i32
    %broadcast_in_dim3A_200 = vector.broadcast %jit3A_199 : i32 to vector<512x2048xi32>
    %select_n3A_201 = arith.select %eq3A_198, %iota3A, %broadcast_in_dim3A_200 : vector<512x2048xi1>, vector<512x2048xi32>
    %reduce_min3A_202 = arith.constant dense<2147483647> : vector<512xi32>
    %reduce_min3A_203 = vector.multi_reduction <minsi>, %select_n3A_201, %reduce_min3A_202 [1] : vector<512x2048xi32> to vector<512xi32>
    %broadcast_in_dim3A_204 = vector.shape_cast %reduce_min3A_203 : vector<512xi32> to vector<512x1xi32>
    %eq3A_205 = vector.broadcast %broadcast_in_dim3A_204 : vector<512x1xi32> to vector<512x2048xi32>
    %eq3A_206 = arith.cmpi eq, %iota3A, %eq3A_205 : vector<512x2048xi32>
    %jit3A_207 = arith.constant 0x7F800000 : f32
    %broadcast_in_dim3A_208 = vector.broadcast %jit3A_207 : f32 to vector<512x2048xf32>
    %select_n3A_209 = arith.select %eq3A_206, %broadcast_in_dim3A_208, %select_n3A_193 : vector<512x2048xi1>, vector<512x2048xf32>
    %reduce_min3A_210 = arith.constant dense<0x7F800000> : vector<512xf32>
    %reduce_min3A_211 = vector.multi_reduction <minimumf>, %select_n3A_209, %reduce_min3A_210 [1] : vector<512x2048xf32> to vector<512xf32>
    %broadcast_in_dim3A_212 = vector.shape_cast %reduce_min3A_211 : vector<512xf32> to vector<512x1xf32>
    %eq3A_213 = vector.broadcast %broadcast_in_dim3A_212 : vector<512x1xf32> to vector<512x2048xf32>
    %eq3A_214 = arith.cmpf oeq, %select_n3A_209, %eq3A_213 : vector<512x2048xf32>
    %jit3A_215 = arith.constant 2147483647 : i32
    %broadcast_in_dim3A_216 = vector.broadcast %jit3A_215 : i32 to vector<512x2048xi32>
    %select_n3A_217 = arith.select %eq3A_214, %iota3A, %broadcast_in_dim3A_216 : vector<512x2048xi1>, vector<512x2048xi32>
    %reduce_min3A_218 = arith.constant dense<2147483647> : vector<512xi32>
    %reduce_min3A_219 = vector.multi_reduction <minsi>, %select_n3A_217, %reduce_min3A_218 [1] : vector<512x2048xi32> to vector<512xi32>
    %broadcast_in_dim3A_220 = vector.shape_cast %reduce_min3A_219 : vector<512xi32> to vector<512x1xi32>
    %eq3A_221 = vector.broadcast %broadcast_in_dim3A_220 : vector<512x1xi32> to vector<512x2048xi32>
    %eq3A_222 = arith.cmpi eq, %iota3A, %eq3A_221 : vector<512x2048xi32>
    %jit3A_223 = arith.constant 0x7F800000 : f32
    %broadcast_in_dim3A_224 = vector.broadcast %jit3A_223 : f32 to vector<512x2048xf32>
    %select_n3A_225 = arith.select %eq3A_222, %broadcast_in_dim3A_224, %select_n3A_209 : vector<512x2048xi1>, vector<512x2048xf32>
    %reduce_min3A_226 = arith.constant dense<0x7F800000> : vector<512xf32>
    %reduce_min3A_227 = vector.multi_reduction <minimumf>, %select_n3A_225, %reduce_min3A_226 [1] : vector<512x2048xf32> to vector<512xf32>
    %broadcast_in_dim3A_228 = vector.shape_cast %reduce_min3A_227 : vector<512xf32> to vector<512x1xf32>
    %eq3A_229 = vector.broadcast %broadcast_in_dim3A_228 : vector<512x1xf32> to vector<512x2048xf32>
    %eq3A_230 = arith.cmpf oeq, %select_n3A_225, %eq3A_229 : vector<512x2048xf32>
    %jit3A_231 = arith.constant 2147483647 : i32
    %broadcast_in_dim3A_232 = vector.broadcast %jit3A_231 : i32 to vector<512x2048xi32>
    %select_n3A_233 = arith.select %eq3A_230, %iota3A, %broadcast_in_dim3A_232 : vector<512x2048xi1>, vector<512x2048xi32>
    %reduce_min3A_234 = arith.constant dense<2147483647> : vector<512xi32>
    %reduce_min3A_235 = vector.multi_reduction <minsi>, %select_n3A_233, %reduce_min3A_234 [1] : vector<512x2048xi32> to vector<512xi32>
    %broadcast_in_dim3A_236 = vector.shape_cast %reduce_min3A_235 : vector<512xi32> to vector<512x1xi32>
    %eq3A_237 = vector.broadcast %broadcast_in_dim3A_236 : vector<512x1xi32> to vector<512x2048xi32>
    %eq3A_238 = arith.cmpi eq, %iota3A, %eq3A_237 : vector<512x2048xi32>
    %jit3A_239 = arith.constant 0x7F800000 : f32
    %broadcast_in_dim3A_240 = vector.broadcast %jit3A_239 : f32 to vector<512x2048xf32>
    %select_n3A_241 = arith.select %eq3A_238, %broadcast_in_dim3A_240, %select_n3A_225 : vector<512x2048xi1>, vector<512x2048xf32>
    %reduce_min3A_242 = arith.constant dense<0x7F800000> : vector<512xf32>
    %reduce_min3A_243 = vector.multi_reduction <minimumf>, %select_n3A_241, %reduce_min3A_242 [1] : vector<512x2048xf32> to vector<512xf32>
    %broadcast_in_dim3A_244 = vector.shape_cast %reduce_min3A_243 : vector<512xf32> to vector<512x1xf32>
    %eq3A_245 = vector.broadcast %broadcast_in_dim3A_244 : vector<512x1xf32> to vector<512x2048xf32>
    %eq3A_246 = arith.cmpf oeq, %select_n3A_241, %eq3A_245 : vector<512x2048xf32>
    %jit3A_247 = arith.constant 2147483647 : i32
    %broadcast_in_dim3A_248 = vector.broadcast %jit3A_247 : i32 to vector<512x2048xi32>
    %select_n3A_249 = arith.select %eq3A_246, %iota3A, %broadcast_in_dim3A_248 : vector<512x2048xi1>, vector<512x2048xi32>
    %reduce_min3A_250 = arith.constant dense<2147483647> : vector<512xi32>
    %reduce_min3A_251 = vector.multi_reduction <minsi>, %select_n3A_249, %reduce_min3A_250 [1] : vector<512x2048xi32> to vector<512xi32>
    %broadcast_in_dim3A_252 = vector.shape_cast %reduce_min3A_251 : vector<512xi32> to vector<512x1xi32>
    %eq3A_253 = vector.broadcast %broadcast_in_dim3A_252 : vector<512x1xi32> to vector<512x2048xi32>
    %eq3A_254 = arith.cmpi eq, %iota3A, %eq3A_253 : vector<512x2048xi32>
    %jit3A_255 = arith.constant 0x7F800000 : f32
    %broadcast_in_dim3A_256 = vector.broadcast %jit3A_255 : f32 to vector<512x2048xf32>
    %select_n3A_257 = arith.select %eq3A_254, %broadcast_in_dim3A_256, %select_n3A_241 : vector<512x2048xi1>, vector<512x2048xf32>
    %reduce_min3A_258 = arith.constant dense<0x7F800000> : vector<512xf32>
    %reduce_min3A_259 = vector.multi_reduction <minimumf>, %select_n3A_257, %reduce_min3A_258 [1] : vector<512x2048xf32> to vector<512xf32>
    %broadcast_in_dim3A_260 = vector.shape_cast %reduce_min3A_259 : vector<512xf32> to vector<512x1xf32>
    %eq3A_261 = vector.broadcast %broadcast_in_dim3A_260 : vector<512x1xf32> to vector<512x2048xf32>
    %eq3A_262 = arith.cmpf oeq, %select_n3A_257, %eq3A_261 : vector<512x2048xf32>
    %jit3A_263 = arith.constant 2147483647 : i32
    %broadcast_in_dim3A_264 = vector.broadcast %jit3A_263 : i32 to vector<512x2048xi32>
    %select_n3A_265 = arith.select %eq3A_262, %iota3A, %broadcast_in_dim3A_264 : vector<512x2048xi1>, vector<512x2048xi32>
    %reduce_min3A_266 = arith.constant dense<2147483647> : vector<512xi32>
    %reduce_min3A_267 = vector.multi_reduction <minsi>, %select_n3A_265, %reduce_min3A_266 [1] : vector<512x2048xi32> to vector<512xi32>
    %broadcast_in_dim3A_268 = vector.shape_cast %reduce_min3A_267 : vector<512xi32> to vector<512x1xi32>
    %eq3A_269 = vector.broadcast %broadcast_in_dim3A_268 : vector<512x1xi32> to vector<512x2048xi32>
    %eq3A_270 = arith.cmpi eq, %iota3A, %eq3A_269 : vector<512x2048xi32>
    %jit3A_271 = arith.constant 0x7F800000 : f32
    %broadcast_in_dim3A_272 = vector.broadcast %jit3A_271 : f32 to vector<512x2048xf32>
    %select_n3A_273 = arith.select %eq3A_270, %broadcast_in_dim3A_272, %select_n3A_257 : vector<512x2048xi1>, vector<512x2048xf32>
    %reduce_min3A_274 = arith.constant dense<0x7F800000> : vector<512xf32>
    %reduce_min3A_275 = vector.multi_reduction <minimumf>, %select_n3A_273, %reduce_min3A_274 [1] : vector<512x2048xf32> to vector<512xf32>
    %broadcast_in_dim3A_276 = vector.shape_cast %reduce_min3A_275 : vector<512xf32> to vector<512x1xf32>
    %eq3A_277 = vector.broadcast %broadcast_in_dim3A_276 : vector<512x1xf32> to vector<512x2048xf32>
    %eq3A_278 = arith.cmpf oeq, %select_n3A_273, %eq3A_277 : vector<512x2048xf32>
    %jit3A_279 = arith.constant 2147483647 : i32
    %broadcast_in_dim3A_280 = vector.broadcast %jit3A_279 : i32 to vector<512x2048xi32>
    %select_n3A_281 = arith.select %eq3A_278, %iota3A, %broadcast_in_dim3A_280 : vector<512x2048xi1>, vector<512x2048xi32>
    %reduce_min3A_282 = arith.constant dense<2147483647> : vector<512xi32>
    %reduce_min3A_283 = vector.multi_reduction <minsi>, %select_n3A_281, %reduce_min3A_282 [1] : vector<512x2048xi32> to vector<512xi32>
    %broadcast_in_dim3A_284 = vector.shape_cast %reduce_min3A_283 : vector<512xi32> to vector<512x1xi32>
    %concatenate3A = tpu.concatenate %broadcast_in_dim3A_44, %broadcast_in_dim3A_60, %broadcast_in_dim3A_76, %broadcast_in_dim3A_92, %broadcast_in_dim3A_108, %broadcast_in_dim3A_124, %broadcast_in_dim3A_140, %broadcast_in_dim3A_156, %broadcast_in_dim3A_172, %broadcast_in_dim3A_188, %broadcast_in_dim3A_204, %broadcast_in_dim3A_220, %broadcast_in_dim3A_236, %broadcast_in_dim3A_252, %broadcast_in_dim3A_268, %broadcast_in_dim3A_284 in 1 : vector<512x1xi32>, vector<512x1xi32>, vector<512x1xi32>, vector<512x1xi32>, vector<512x1xi32>, vector<512x1xi32>, vector<512x1xi32>, vector<512x1xi32>, vector<512x1xi32>, vector<512x1xi32>, vector<512x1xi32>, vector<512x1xi32>, vector<512x1xi32>, vector<512x1xi32>, vector<512x1xi32>, vector<512x1xi32> -> vector<512x16xi32>
    %mul3A_285 = arith.constant 2048 : i32
    %mul3A_286 = arith.muli %arg0, %mul3A_285 : i32
    %add3A_287 = vector.broadcast %mul3A_286 : i32 to vector<512x16xi32>
    %add3A_288 = arith.addi %concatenate3A, %add3A_287 : vector<512x16xi32>
    %swap3A = arith.constant 0 : index
    %swap3A_289 = arith.constant 0 : index
    %swap3A_290 = vector.load %arg4[%swap3A, %swap3A_289] : memref<512x16xi32, #tpu.memory_space<vmem>>, vector<512x16xi32>
    tpu.vector_store %arg4[%swap3A, %swap3A_289], %add3A_288 {strides = array<i32>} : memref<512x16xi32, #tpu.memory_space<vmem>>, vector<512x16xi32>,
    return
  }
  func.func @transform_0(%arg0: i32, %arg1: i32) -> (i32, i32, i32) {
    %c0_i32 = arith.constant 0 : i32
    %c0_i32_0 = arith.constant 0 : i32
    return %arg0, %arg1, %c0_i32 : i32, i32, i32
  }
  func.func @transform_1(%arg0: i32, %arg1: i32) -> (i32, i32, i32) {
    %c0_i32 = arith.constant 0 : i32
    %c0_i32_0 = arith.constant 0 : i32
    %c0_i32_1 = arith.constant 0 : i32
    return %arg0, %c0_i32, %c0_i32_0 : i32, i32, i32
  }
  func.func @transform_2(%arg0: i32, %arg1: i32) -> (i32, i32) {
    %mul3A = arith.constant 4 : i32
    %mul3A_0 = arith.muli %arg0, %mul3A : i32
    %add3A = arith.addi %mul3A_0, %arg1 : i32
    %c0_i32 = arith.constant 0 : i32
    %c0_i32_1 = arith.constant 0 : i32
    return %add3A, %c0_i32 : i32, i32
  }
}

module attributes {stable_mosaic.version = 14 : i64} {
  func.func @_edge_body(%arg0: i32, %arg1: memref<256x16xf32, #tpu.memory_space<vmem>>, %arg2: memref<4096x16xf32, #tpu.memory_space<vmem>>, %arg3: memref<16x64xbf16, #tpu.memory_space<vmem>>, %arg4: memref<16x64xbf16, #tpu.memory_space<vmem>>, %arg5: memref<1x64xf32, #tpu.memory_space<vmem>>, %arg6: memref<256x64xf32, #tpu.memory_space<vmem>>, %arg7: memref<1x64xf32, #tpu.memory_space<vmem>>, %arg8: memref<1x64xf32, #tpu.memory_space<vmem>>) attributes {dimension_semantics = [#tpu.dimension_semantics<arbitrary>], iteration_bounds = array<i64: 128>, scalar_prefetch = 0 : i64, scratch_operands = 0 : i64, tpu.core_type = #tpu.core_type<tc>, window_params = [{transform_indices = @transform_0, window_bounds = array<i64: 256, 16>}, {transform_indices = @transform_1, window_bounds = array<i64: 4096, 16>}, {pipeline_mode = #tpu.pipeline_mode<synchronous>, transform_indices = @transform_2, window_bounds = array<i64: 16, 64>}, {pipeline_mode = #tpu.pipeline_mode<synchronous>, transform_indices = @transform_3, window_bounds = array<i64: 16, 64>}, {pipeline_mode = #tpu.pipeline_mode<synchronous>, transform_indices = @transform_4, window_bounds = array<i64: 1, 64>}, {transform_indices = @transform_5, window_bounds = array<i64: 256, 64>}, {pipeline_mode = #tpu.pipeline_mode<synchronous>, transform_indices = @transform_6, window_bounds = array<i64: 1, 64>}, {pipeline_mode = #tpu.pipeline_mode<synchronous>, transform_indices = @transform_7, window_bounds = array<i64: 1, 64>}]} {
    %get3A = arith.constant 0 : index
    %get3A_0 = arith.constant 0 : index
    %get3A_1 = vector.load %arg1[%get3A, %get3A_0] : memref<256x16xf32, #tpu.memory_space<vmem>>, vector<256x16xf32>
    %get3A_2 = arith.constant 0 : index
    %get3A_3 = arith.constant 0 : index
    %get3A_4 = vector.load %arg2[%get3A_2, %get3A_3] : memref<4096x16xf32, #tpu.memory_space<vmem>>, vector<4096x16xf32>
    %convert_element_type3A = arith.truncf %get3A_1 : vector<256x16xf32> to vector<256x16xbf16>
    %get3A_5 = arith.constant 0 : index
    %get3A_6 = arith.constant 0 : index
    %get3A_7 = vector.load %arg3[%get3A_5, %get3A_6] : memref<16x64xbf16, #tpu.memory_space<vmem>>, vector<16x64xbf16>
    %dot_general3A = arith.constant dense<0.000000e+00> : vector<256x64xf32>
    %dot_general3A_8 = tpu.matmul %convert_element_type3A, %get3A_7, %dot_general3A {dimension_numbers = #tpu.dot_dimension_numbers<[1], [0], [0], [1], [0, 0, 1, 1], [], []>, transpose_lhs_hint = false} : vector<256x16xbf16>, vector<16x64xbf16>, vector<256x64xf32> -> vector<256x64xf32>
    %reshape3A = vector.shape_cast %get3A_4 : vector<4096x16xf32> to vector<256x16x16xf32>
    %broadcast_in_dim3A = vector.shape_cast %get3A_1 : vector<256x16xf32> to vector<256x1x16xf32>
    %sub3A = vector.broadcast %broadcast_in_dim3A : vector<256x1x16xf32> to vector<256x16x16xf32>
    %sub3A_9 = arith.subf %reshape3A, %sub3A : vector<256x16x16xf32>
    %convert_element_type3A_10 = arith.truncf %sub3A_9 : vector<256x16x16xf32> to vector<256x16x16xbf16>
    %reshape3A_11 = vector.shape_cast %convert_element_type3A_10 : vector<256x16x16xbf16> to vector<4096x16xbf16>
    %get3A_12 = arith.constant 0 : index
    %get3A_13 = arith.constant 0 : index
    %get3A_14 = vector.load %arg4[%get3A_12, %get3A_13] : memref<16x64xbf16, #tpu.memory_space<vmem>>, vector<16x64xbf16>
    %dot_general3A_15 = arith.constant dense<0.000000e+00> : vector<4096x64xf32>
    %dot_general3A_16 = tpu.matmul %reshape3A_11, %get3A_14, %dot_general3A_15 {dimension_numbers = #tpu.dot_dimension_numbers<[1], [0], [0], [1], [0, 0, 1, 1], [], []>, transpose_lhs_hint = false} : vector<4096x16xbf16>, vector<16x64xbf16>, vector<4096x64xf32> -> vector<4096x64xf32>
    %reshape3A_17 = vector.shape_cast %dot_general3A_16 : vector<4096x64xf32> to vector<256x16x64xf32>
    %broadcast_in_dim3A_18 = vector.shape_cast %dot_general3A_8 : vector<256x64xf32> to vector<256x1x64xf32>
    %add3A = vector.broadcast %broadcast_in_dim3A_18 : vector<256x1x64xf32> to vector<256x16x64xf32>
    %add3A_19 = arith.addf %reshape3A_17, %add3A : vector<256x16x64xf32>
    %get3A_20 = arith.constant 0 : index
    %get3A_21 = arith.constant 0 : index
    %get3A_22 = vector.load %arg5[%get3A_20, %get3A_21] : memref<1x64xf32, #tpu.memory_space<vmem>>, vector<1x64xf32>
    %broadcast_in_dim3A_23 = vector.shape_cast %get3A_22 : vector<1x64xf32> to vector<1x1x64xf32>
    %add3A_24 = vector.broadcast %broadcast_in_dim3A_23 : vector<1x1x64xf32> to vector<256x16x64xf32>
    %add3A_25 = arith.addf %add3A_19, %add3A_24 : vector<256x16x64xf32>
    %reduce_max3A = arith.constant dense<0xFF800000> : vector<256x64xf32>
    %reduce_max3A_26 = vector.multi_reduction <maximumf>, %add3A_25, %reduce_max3A [1] : vector<256x16x64xf32> to vector<256x64xf32>
    %swap3A = arith.constant 0 : index
    %swap3A_27 = arith.constant 0 : index
    %swap3A_28 = vector.load %arg6[%swap3A, %swap3A_27] : memref<256x64xf32, #tpu.memory_space<vmem>>, vector<256x64xf32>
    tpu.vector_store %arg6[%swap3A, %swap3A_27], %reduce_max3A_26 {strides = array<i32>} : memref<256x64xf32, #tpu.memory_space<vmem>>, vector<256x64xf32>,
    %reduce_sum3A = arith.constant dense<0.000000e+00> : vector<256x64xf32>
    %reduce_sum3A_29 = vector.multi_reduction <add>, %add3A_25, %reduce_sum3A [1] : vector<256x16x64xf32> to vector<256x64xf32>
    %reduce_sum3A_30 = arith.constant dense<0.000000e+00> : vector<64xf32>
    %reduce_sum3A_31 = vector.multi_reduction <add>, %reduce_sum3A_29, %reduce_sum3A_30 [0] : vector<256x64xf32> to vector<64xf32>
    %broadcast_in_dim3A_32 = vector.shape_cast %reduce_sum3A_31 : vector<64xf32> to vector<1x64xf32>
    %mul3A = arith.mulf %add3A_25, %add3A_25 : vector<256x16x64xf32>
    %reduce_sum3A_33 = arith.constant dense<0.000000e+00> : vector<256x64xf32>
    %reduce_sum3A_34 = vector.multi_reduction <add>, %mul3A, %reduce_sum3A_33 [1] : vector<256x16x64xf32> to vector<256x64xf32>
    %reduce_sum3A_35 = arith.constant dense<0.000000e+00> : vector<64xf32>
    %reduce_sum3A_36 = vector.multi_reduction <add>, %reduce_sum3A_34, %reduce_sum3A_35 [0] : vector<256x64xf32> to vector<64xf32>
    %broadcast_in_dim3A_37 = vector.shape_cast %reduce_sum3A_36 : vector<64xf32> to vector<1x64xf32>
    %eq3A = arith.constant 0 : i32
    %eq3A_38 = arith.cmpi eq, %arg0, %eq3A : i32
    %convert_element_type3A_39 = arith.extui %eq3A_38 : i1 to i32
    %cond3A = arith.constant 0 : i32
    %cond3A_40 = arith.cmpi ne, %convert_element_type3A_39, %cond3A : i32
    scf.if %cond3A_40 {
      %broadcast_in_dim3A_55 = arith.constant 0.000000e+00 : f32
      %broadcast_in_dim3A_56 = vector.broadcast %broadcast_in_dim3A_55 : f32 to vector<1x64xf32>
      %swap3A_57 = arith.constant 0 : index
      %swap3A_58 = arith.constant 0 : index
      %swap3A_59 = vector.load %arg7[%swap3A_57, %swap3A_58] : memref<1x64xf32, #tpu.memory_space<vmem>>, vector<1x64xf32>
      tpu.vector_store %arg7[%swap3A_57, %swap3A_58], %broadcast_in_dim3A_56 {strides = array<i32>} : memref<1x64xf32, #tpu.memory_space<vmem>>, vector<1x64xf32>,
      %broadcast_in_dim3A_60 = arith.constant 0.000000e+00 : f32
      %broadcast_in_dim3A_61 = vector.broadcast %broadcast_in_dim3A_60 : f32 to vector<1x64xf32>
      %swap3A_62 = arith.constant 0 : index
      %swap3A_63 = arith.constant 0 : index
      %swap3A_64 = vector.load %arg8[%swap3A_62, %swap3A_63] : memref<1x64xf32, #tpu.memory_space<vmem>>, vector<1x64xf32>
      tpu.vector_store %arg8[%swap3A_62, %swap3A_63], %broadcast_in_dim3A_61 {strides = array<i32>} : memref<1x64xf32, #tpu.memory_space<vmem>>, vector<1x64xf32>,
    } else {
    }
    %get3A_41 = arith.constant 0 : index
    %get3A_42 = arith.constant 0 : index
    %get3A_43 = vector.load %arg7[%get3A_41, %get3A_42] : memref<1x64xf32, #tpu.memory_space<vmem>>, vector<1x64xf32>
    %add3A_44 = arith.addf %get3A_43, %broadcast_in_dim3A_32 : vector<1x64xf32>
    %swap3A_45 = arith.constant 0 : index
    %swap3A_46 = arith.constant 0 : index
    %swap3A_47 = vector.load %arg7[%swap3A_45, %swap3A_46] : memref<1x64xf32, #tpu.memory_space<vmem>>, vector<1x64xf32>
    tpu.vector_store %arg7[%swap3A_45, %swap3A_46], %add3A_44 {strides = array<i32>} : memref<1x64xf32, #tpu.memory_space<vmem>>, vector<1x64xf32>,
    %get3A_48 = arith.constant 0 : index
    %get3A_49 = arith.constant 0 : index
    %get3A_50 = vector.load %arg8[%get3A_48, %get3A_49] : memref<1x64xf32, #tpu.memory_space<vmem>>, vector<1x64xf32>
    %add3A_51 = arith.addf %get3A_50, %broadcast_in_dim3A_37 : vector<1x64xf32>
    %swap3A_52 = arith.constant 0 : index
    %swap3A_53 = arith.constant 0 : index
    %swap3A_54 = vector.load %arg8[%swap3A_52, %swap3A_53] : memref<1x64xf32, #tpu.memory_space<vmem>>, vector<1x64xf32>
    tpu.vector_store %arg8[%swap3A_52, %swap3A_53], %add3A_51 {strides = array<i32>} : memref<1x64xf32, #tpu.memory_space<vmem>>, vector<1x64xf32>,
    return
  }
  func.func @transform_0(%arg0: i32) -> (i32, i32) {
    %c0_i32 = arith.constant 0 : i32
    %c0_i32_0 = arith.constant 0 : i32
    return %arg0, %c0_i32 : i32, i32
  }
  func.func @transform_1(%arg0: i32) -> (i32, i32) {
    %c0_i32 = arith.constant 0 : i32
    %c0_i32_0 = arith.constant 0 : i32
    return %arg0, %c0_i32 : i32, i32
  }
  func.func @transform_2(%arg0: i32) -> (i32, i32) {
    %c0_i32 = arith.constant 0 : i32
    %c0_i32_0 = arith.constant 0 : i32
    %c0_i32_1 = arith.constant 0 : i32
    return %c0_i32, %c0_i32_0 : i32, i32
  }
  func.func @transform_3(%arg0: i32) -> (i32, i32) {
    %c0_i32 = arith.constant 0 : i32
    %c0_i32_0 = arith.constant 0 : i32
    %c0_i32_1 = arith.constant 0 : i32
    return %c0_i32, %c0_i32_0 : i32, i32
  }
  func.func @transform_4(%arg0: i32) -> (i32, i32) {
    %c0_i32 = arith.constant 0 : i32
    %c0_i32_0 = arith.constant 0 : i32
    %c0_i32_1 = arith.constant 0 : i32
    return %c0_i32, %c0_i32_0 : i32, i32
  }
  func.func @transform_5(%arg0: i32) -> (i32, i32) {
    %c0_i32 = arith.constant 0 : i32
    %c0_i32_0 = arith.constant 0 : i32
    return %arg0, %c0_i32 : i32, i32
  }
  func.func @transform_6(%arg0: i32) -> (i32, i32) {
    %c0_i32 = arith.constant 0 : i32
    %c0_i32_0 = arith.constant 0 : i32
    %c0_i32_1 = arith.constant 0 : i32
    return %c0_i32, %c0_i32_0 : i32, i32
  }
  func.func @transform_7(%arg0: i32) -> (i32, i32) {
    %c0_i32 = arith.constant 0 : i32
    %c0_i32_0 = arith.constant 0 : i32
    %c0_i32_1 = arith.constant 0 : i32
    return %c0_i32, %c0_i32_0 : i32, i32
  }
}

module attributes {stable_mosaic.version = 14 : i64} {
  func.func @_fin_body(%arg0: i32, %arg1: memref<2048x64xf32, #tpu.memory_space<vmem>>, %arg2: memref<1x64xf32, #tpu.memory_space<vmem>>, %arg3: memref<1x64xf32, #tpu.memory_space<vmem>>, %arg4: memref<1x64xf32, #tpu.memory_space<vmem>>, %arg5: memref<1x64xf32, #tpu.memory_space<vmem>>, %arg6: memref<2048x64xf32, #tpu.memory_space<vmem>>) attributes {dimension_semantics = [#tpu.dimension_semantics<arbitrary>], iteration_bounds = array<i64: 16>, scalar_prefetch = 0 : i64, scratch_operands = 0 : i64, tpu.core_type = #tpu.core_type<tc>, window_params = [{transform_indices = @transform_0, window_bounds = array<i64: 2048, 64>}, {pipeline_mode = #tpu.pipeline_mode<synchronous>, transform_indices = @transform_1, window_bounds = array<i64: 1, 64>}, {pipeline_mode = #tpu.pipeline_mode<synchronous>, transform_indices = @transform_2, window_bounds = array<i64: 1, 64>}, {pipeline_mode = #tpu.pipeline_mode<synchronous>, transform_indices = @transform_3, window_bounds = array<i64: 1, 64>}, {pipeline_mode = #tpu.pipeline_mode<synchronous>, transform_indices = @transform_4, window_bounds = array<i64: 1, 64>}, {transform_indices = @transform_5, window_bounds = array<i64: 2048, 64>}]} {
    %get3A = arith.constant 0 : index
    %get3A_0 = arith.constant 0 : index
    %get3A_1 = vector.load %arg2[%get3A, %get3A_0] : memref<1x64xf32, #tpu.memory_space<vmem>>, vector<1x64xf32>
    %div3A = arith.constant 5.242880e+05 : f32
    %div3A_2 = vector.broadcast %div3A : f32 to vector<1x64xf32>
    %div3A_3 = arith.divf %get3A_1, %div3A_2 : vector<1x64xf32>
    %get3A_4 = arith.constant 0 : index
    %get3A_5 = arith.constant 0 : index
    %get3A_6 = vector.load %arg3[%get3A_4, %get3A_5] : memref<1x64xf32, #tpu.memory_space<vmem>>, vector<1x64xf32>
    %div3A_7 = arith.constant 5.242880e+05 : f32
    %div3A_8 = vector.broadcast %div3A_7 : f32 to vector<1x64xf32>
    %div3A_9 = arith.divf %get3A_6, %div3A_8 : vector<1x64xf32>
    %mul3A = arith.mulf %div3A_3, %div3A_3 : vector<1x64xf32>
    %sub3A = arith.subf %div3A_9, %mul3A : vector<1x64xf32>
    %add3A = arith.constant 9.99999974E-6 : f32
    %add3A_10 = vector.broadcast %add3A : f32 to vector<1x64xf32>
    %add3A_11 = arith.addf %sub3A, %add3A_10 : vector<1x64xf32>
    %rsqrt3A = math.rsqrt %add3A_11 : vector<1x64xf32>
    %get3A_12 = arith.constant 0 : index
    %get3A_13 = arith.constant 0 : index
    %get3A_14 = vector.load %arg4[%get3A_12, %get3A_13] : memref<1x64xf32, #tpu.memory_space<vmem>>, vector<1x64xf32>
    %mul3A_15 = arith.mulf %rsqrt3A, %get3A_14 : vector<1x64xf32>
    %get3A_16 = arith.constant 0 : index
    %get3A_17 = arith.constant 0 : index
    %get3A_18 = vector.load %arg1[%get3A_16, %get3A_17] : memref<2048x64xf32, #tpu.memory_space<vmem>>, vector<2048x64xf32>
    %sub3A_19 = vector.broadcast %div3A_3 : vector<1x64xf32> to vector<2048x64xf32>
    %sub3A_20 = arith.subf %get3A_18, %sub3A_19 : vector<2048x64xf32>
    %mul3A_21 = vector.broadcast %mul3A_15 : vector<1x64xf32> to vector<2048x64xf32>
    %mul3A_22 = arith.mulf %sub3A_20, %mul3A_21 : vector<2048x64xf32>
    %get3A_23 = arith.constant 0 : index
    %get3A_24 = arith.constant 0 : index
    %get3A_25 = vector.load %arg5[%get3A_23, %get3A_24] : memref<1x64xf32, #tpu.memory_space<vmem>>, vector<1x64xf32>
    %add3A_26 = vector.broadcast %get3A_25 : vector<1x64xf32> to vector<2048x64xf32>
    %add3A_27 = arith.addf %mul3A_22, %add3A_26 : vector<2048x64xf32>
    %ge3A = arith.constant 0.000000e+00 : f32
    %ge3A_28 = vector.broadcast %ge3A : f32 to vector<2048x64xf32>
    %ge3A_29 = arith.cmpf oge, %add3A_27, %ge3A_28 : vector<2048x64xf32>
    %mul3A_30 = arith.constant 2.000000e-01 : f32
    %mul3A_31 = vector.broadcast %mul3A_30 : f32 to vector<2048x64xf32>
    %mul3A_32 = arith.mulf %mul3A_31, %add3A_27 : vector<2048x64xf32>
    %select_n3A = arith.select %ge3A_29, %add3A_27, %mul3A_32 : vector<2048x64xi1>, vector<2048x64xf32>
    %swap3A = arith.constant 0 : index
    %swap3A_33 = arith.constant 0 : index
    %swap3A_34 = vector.load %arg6[%swap3A, %swap3A_33] : memref<2048x64xf32, #tpu.memory_space<vmem>>, vector<2048x64xf32>
    tpu.vector_store %arg6[%swap3A, %swap3A_33], %select_n3A {strides = array<i32>} : memref<2048x64xf32, #tpu.memory_space<vmem>>, vector<2048x64xf32>,
    return
  }
  func.func @transform_0(%arg0: i32) -> (i32, i32) {
    %c0_i32 = arith.constant 0 : i32
    %c0_i32_0 = arith.constant 0 : i32
    return %arg0, %c0_i32 : i32, i32
  }
  func.func @transform_1(%arg0: i32) -> (i32, i32) {
    %c0_i32 = arith.constant 0 : i32
    %c0_i32_0 = arith.constant 0 : i32
    %c0_i32_1 = arith.constant 0 : i32
    return %c0_i32, %c0_i32_0 : i32, i32
  }
  func.func @transform_2(%arg0: i32) -> (i32, i32) {
    %c0_i32 = arith.constant 0 : i32
    %c0_i32_0 = arith.constant 0 : i32
    %c0_i32_1 = arith.constant 0 : i32
    return %c0_i32, %c0_i32_0 : i32, i32
  }
  func.func @transform_3(%arg0: i32) -> (i32, i32) {
    %c0_i32 = arith.constant 0 : i32
    %c0_i32_0 = arith.constant 0 : i32
    %c0_i32_1 = arith.constant 0 : i32
    return %c0_i32, %c0_i32_0 : i32, i32
  }
  func.func @transform_4(%arg0: i32) -> (i32, i32) {
    %c0_i32 = arith.constant 0 : i32
    %c0_i32_0 = arith.constant 0 : i32
    %c0_i32_1 = arith.constant 0 : i32
    return %c0_i32, %c0_i32_0 : i32, i32
  }
  func.func @transform_5(%arg0: i32) -> (i32, i32) {
    %c0_i32 = arith.constant 0 : i32
    %c0_i32_0 = arith.constant 0 : i32
    return %arg0, %c0_i32 : i32, i32
  }
}

module attributes {stable_mosaic.version = 14 : i64} {
  func.func @_edge_body(%arg0: i32, %arg1: memref<256x64xf32, #tpu.memory_space<vmem>>, %arg2: memref<4096x64xf32, #tpu.memory_space<vmem>>, %arg3: memref<64x128xbf16, #tpu.memory_space<vmem>>, %arg4: memref<64x128xbf16, #tpu.memory_space<vmem>>, %arg5: memref<1x128xf32, #tpu.memory_space<vmem>>, %arg6: memref<256x128xf32, #tpu.memory_space<vmem>>, %arg7: memref<1x128xf32, #tpu.memory_space<vmem>>, %arg8: memref<1x128xf32, #tpu.memory_space<vmem>>) attributes {dimension_semantics = [#tpu.dimension_semantics<arbitrary>], iteration_bounds = array<i64: 128>, scalar_prefetch = 0 : i64, scratch_operands = 0 : i64, tpu.core_type = #tpu.core_type<tc>, window_params = [{transform_indices = @transform_0, window_bounds = array<i64: 256, 64>}, {transform_indices = @transform_1, window_bounds = array<i64: 4096, 64>}, {pipeline_mode = #tpu.pipeline_mode<synchronous>, transform_indices = @transform_2, window_bounds = array<i64: 64, 128>}, {pipeline_mode = #tpu.pipeline_mode<synchronous>, transform_indices = @transform_3, window_bounds = array<i64: 64, 128>}, {pipeline_mode = #tpu.pipeline_mode<synchronous>, transform_indices = @transform_4, window_bounds = array<i64: 1, 128>}, {transform_indices = @transform_5, window_bounds = array<i64: 256, 128>}, {pipeline_mode = #tpu.pipeline_mode<synchronous>, transform_indices = @transform_6, window_bounds = array<i64: 1, 128>}, {pipeline_mode = #tpu.pipeline_mode<synchronous>, transform_indices = @transform_7, window_bounds = array<i64: 1, 128>}]} {
    %get3A = arith.constant 0 : index
    %get3A_0 = arith.constant 0 : index
    %get3A_1 = vector.load %arg1[%get3A, %get3A_0] : memref<256x64xf32, #tpu.memory_space<vmem>>, vector<256x64xf32>
    %get3A_2 = arith.constant 0 : index
    %get3A_3 = arith.constant 0 : index
    %get3A_4 = vector.load %arg2[%get3A_2, %get3A_3] : memref<4096x64xf32, #tpu.memory_space<vmem>>, vector<4096x64xf32>
    %convert_element_type3A = arith.truncf %get3A_1 : vector<256x64xf32> to vector<256x64xbf16>
    %get3A_5 = arith.constant 0 : index
    %get3A_6 = arith.constant 0 : index
    %get3A_7 = vector.load %arg3[%get3A_5, %get3A_6] : memref<64x128xbf16, #tpu.memory_space<vmem>>, vector<64x128xbf16>
    %dot_general3A = arith.constant dense<0.000000e+00> : vector<256x128xf32>
    %dot_general3A_8 = tpu.matmul %convert_element_type3A, %get3A_7, %dot_general3A {dimension_numbers = #tpu.dot_dimension_numbers<[1], [0], [0], [1], [0, 0, 1, 1], [], []>, transpose_lhs_hint = false} : vector<256x64xbf16>, vector<64x128xbf16>, vector<256x128xf32> -> vector<256x128xf32>
    %reshape3A = vector.shape_cast %get3A_4 : vector<4096x64xf32> to vector<256x16x64xf32>
    %broadcast_in_dim3A = vector.shape_cast %get3A_1 : vector<256x64xf32> to vector<256x1x64xf32>
    %sub3A = vector.broadcast %broadcast_in_dim3A : vector<256x1x64xf32> to vector<256x16x64xf32>
    %sub3A_9 = arith.subf %reshape3A, %sub3A : vector<256x16x64xf32>
    %convert_element_type3A_10 = arith.truncf %sub3A_9 : vector<256x16x64xf32> to vector<256x16x64xbf16>
    %reshape3A_11 = vector.shape_cast %convert_element_type3A_10 : vector<256x16x64xbf16> to vector<4096x64xbf16>
    %get3A_12 = arith.constant 0 : index
    %get3A_13 = arith.constant 0 : index
    %get3A_14 = vector.load %arg4[%get3A_12, %get3A_13] : memref<64x128xbf16, #tpu.memory_space<vmem>>, vector<64x128xbf16>
    %dot_general3A_15 = arith.constant dense<0.000000e+00> : vector<4096x128xf32>
    %dot_general3A_16 = tpu.matmul %reshape3A_11, %get3A_14, %dot_general3A_15 {dimension_numbers = #tpu.dot_dimension_numbers<[1], [0], [0], [1], [0, 0, 1, 1], [], []>, transpose_lhs_hint = false} : vector<4096x64xbf16>, vector<64x128xbf16>, vector<4096x128xf32> -> vector<4096x128xf32>
    %reshape3A_17 = vector.shape_cast %dot_general3A_16 : vector<4096x128xf32> to vector<256x16x128xf32>
    %broadcast_in_dim3A_18 = vector.shape_cast %dot_general3A_8 : vector<256x128xf32> to vector<256x1x128xf32>
    %add3A = vector.broadcast %broadcast_in_dim3A_18 : vector<256x1x128xf32> to vector<256x16x128xf32>
    %add3A_19 = arith.addf %reshape3A_17, %add3A : vector<256x16x128xf32>
    %get3A_20 = arith.constant 0 : index
    %get3A_21 = arith.constant 0 : index
    %get3A_22 = vector.load %arg5[%get3A_20, %get3A_21] : memref<1x128xf32, #tpu.memory_space<vmem>>, vector<1x128xf32>
    %broadcast_in_dim3A_23 = vector.shape_cast %get3A_22 : vector<1x128xf32> to vector<1x1x128xf32>
    %add3A_24 = vector.broadcast %broadcast_in_dim3A_23 : vector<1x1x128xf32> to vector<256x16x128xf32>
    %add3A_25 = arith.addf %add3A_19, %add3A_24 : vector<256x16x128xf32>
    %reduce_max3A = arith.constant dense<0xFF800000> : vector<256x128xf32>
    %reduce_max3A_26 = vector.multi_reduction <maximumf>, %add3A_25, %reduce_max3A [1] : vector<256x16x128xf32> to vector<256x128xf32>
    %swap3A = arith.constant 0 : index
    %swap3A_27 = arith.constant 0 : index
    %swap3A_28 = vector.load %arg6[%swap3A, %swap3A_27] : memref<256x128xf32, #tpu.memory_space<vmem>>, vector<256x128xf32>
    tpu.vector_store %arg6[%swap3A, %swap3A_27], %reduce_max3A_26 {strides = array<i32>} : memref<256x128xf32, #tpu.memory_space<vmem>>, vector<256x128xf32>,
    %reduce_sum3A = arith.constant dense<0.000000e+00> : vector<256x128xf32>
    %reduce_sum3A_29 = vector.multi_reduction <add>, %add3A_25, %reduce_sum3A [1] : vector<256x16x128xf32> to vector<256x128xf32>
    %reduce_sum3A_30 = arith.constant dense<0.000000e+00> : vector<128xf32>
    %reduce_sum3A_31 = vector.multi_reduction <add>, %reduce_sum3A_29, %reduce_sum3A_30 [0] : vector<256x128xf32> to vector<128xf32>
    %broadcast_in_dim3A_32 = vector.shape_cast %reduce_sum3A_31 : vector<128xf32> to vector<1x128xf32>
    %mul3A = arith.mulf %add3A_25, %add3A_25 : vector<256x16x128xf32>
    %reduce_sum3A_33 = arith.constant dense<0.000000e+00> : vector<256x128xf32>
    %reduce_sum3A_34 = vector.multi_reduction <add>, %mul3A, %reduce_sum3A_33 [1] : vector<256x16x128xf32> to vector<256x128xf32>
    %reduce_sum3A_35 = arith.constant dense<0.000000e+00> : vector<128xf32>
    %reduce_sum3A_36 = vector.multi_reduction <add>, %reduce_sum3A_34, %reduce_sum3A_35 [0] : vector<256x128xf32> to vector<128xf32>
    %broadcast_in_dim3A_37 = vector.shape_cast %reduce_sum3A_36 : vector<128xf32> to vector<1x128xf32>
    %eq3A = arith.constant 0 : i32
    %eq3A_38 = arith.cmpi eq, %arg0, %eq3A : i32
    %convert_element_type3A_39 = arith.extui %eq3A_38 : i1 to i32
    %cond3A = arith.constant 0 : i32
    %cond3A_40 = arith.cmpi ne, %convert_element_type3A_39, %cond3A : i32
    scf.if %cond3A_40 {
      %broadcast_in_dim3A_55 = arith.constant 0.000000e+00 : f32
      %broadcast_in_dim3A_56 = vector.broadcast %broadcast_in_dim3A_55 : f32 to vector<1x128xf32>
      %swap3A_57 = arith.constant 0 : index
      %swap3A_58 = arith.constant 0 : index
      %swap3A_59 = vector.load %arg7[%swap3A_57, %swap3A_58] : memref<1x128xf32, #tpu.memory_space<vmem>>, vector<1x128xf32>
      tpu.vector_store %arg7[%swap3A_57, %swap3A_58], %broadcast_in_dim3A_56 {strides = array<i32>} : memref<1x128xf32, #tpu.memory_space<vmem>>, vector<1x128xf32>,
      %broadcast_in_dim3A_60 = arith.constant 0.000000e+00 : f32
      %broadcast_in_dim3A_61 = vector.broadcast %broadcast_in_dim3A_60 : f32 to vector<1x128xf32>
      %swap3A_62 = arith.constant 0 : index
      %swap3A_63 = arith.constant 0 : index
      %swap3A_64 = vector.load %arg8[%swap3A_62, %swap3A_63] : memref<1x128xf32, #tpu.memory_space<vmem>>, vector<1x128xf32>
      tpu.vector_store %arg8[%swap3A_62, %swap3A_63], %broadcast_in_dim3A_61 {strides = array<i32>} : memref<1x128xf32, #tpu.memory_space<vmem>>, vector<1x128xf32>,
    } else {
    }
    %get3A_41 = arith.constant 0 : index
    %get3A_42 = arith.constant 0 : index
    %get3A_43 = vector.load %arg7[%get3A_41, %get3A_42] : memref<1x128xf32, #tpu.memory_space<vmem>>, vector<1x128xf32>
    %add3A_44 = arith.addf %get3A_43, %broadcast_in_dim3A_32 : vector<1x128xf32>
    %swap3A_45 = arith.constant 0 : index
    %swap3A_46 = arith.constant 0 : index
    %swap3A_47 = vector.load %arg7[%swap3A_45, %swap3A_46] : memref<1x128xf32, #tpu.memory_space<vmem>>, vector<1x128xf32>
    tpu.vector_store %arg7[%swap3A_45, %swap3A_46], %add3A_44 {strides = array<i32>} : memref<1x128xf32, #tpu.memory_space<vmem>>, vector<1x128xf32>,
    %get3A_48 = arith.constant 0 : index
    %get3A_49 = arith.constant 0 : index
    %get3A_50 = vector.load %arg8[%get3A_48, %get3A_49] : memref<1x128xf32, #tpu.memory_space<vmem>>, vector<1x128xf32>
    %add3A_51 = arith.addf %get3A_50, %broadcast_in_dim3A_37 : vector<1x128xf32>
    %swap3A_52 = arith.constant 0 : index
    %swap3A_53 = arith.constant 0 : index
    %swap3A_54 = vector.load %arg8[%swap3A_52, %swap3A_53] : memref<1x128xf32, #tpu.memory_space<vmem>>, vector<1x128xf32>
    tpu.vector_store %arg8[%swap3A_52, %swap3A_53], %add3A_51 {strides = array<i32>} : memref<1x128xf32, #tpu.memory_space<vmem>>, vector<1x128xf32>,
    return
  }
  func.func @transform_0(%arg0: i32) -> (i32, i32) {
    %c0_i32 = arith.constant 0 : i32
    %c0_i32_0 = arith.constant 0 : i32
    return %arg0, %c0_i32 : i32, i32
  }
  func.func @transform_1(%arg0: i32) -> (i32, i32) {
    %c0_i32 = arith.constant 0 : i32
    %c0_i32_0 = arith.constant 0 : i32
    return %arg0, %c0_i32 : i32, i32
  }
  func.func @transform_2(%arg0: i32) -> (i32, i32) {
    %c0_i32 = arith.constant 0 : i32
    %c0_i32_0 = arith.constant 0 : i32
    %c0_i32_1 = arith.constant 0 : i32
    return %c0_i32, %c0_i32_0 : i32, i32
  }
  func.func @transform_3(%arg0: i32) -> (i32, i32) {
    %c0_i32 = arith.constant 0 : i32
    %c0_i32_0 = arith.constant 0 : i32
    %c0_i32_1 = arith.constant 0 : i32
    return %c0_i32, %c0_i32_0 : i32, i32
  }
  func.func @transform_4(%arg0: i32) -> (i32, i32) {
    %c0_i32 = arith.constant 0 : i32
    %c0_i32_0 = arith.constant 0 : i32
    %c0_i32_1 = arith.constant 0 : i32
    return %c0_i32, %c0_i32_0 : i32, i32
  }
  func.func @transform_5(%arg0: i32) -> (i32, i32) {
    %c0_i32 = arith.constant 0 : i32
    %c0_i32_0 = arith.constant 0 : i32
    return %arg0, %c0_i32 : i32, i32
  }
  func.func @transform_6(%arg0: i32) -> (i32, i32) {
    %c0_i32 = arith.constant 0 : i32
    %c0_i32_0 = arith.constant 0 : i32
    %c0_i32_1 = arith.constant 0 : i32
    return %c0_i32, %c0_i32_0 : i32, i32
  }
  func.func @transform_7(%arg0: i32) -> (i32, i32) {
    %c0_i32 = arith.constant 0 : i32
    %c0_i32_0 = arith.constant 0 : i32
    %c0_i32_1 = arith.constant 0 : i32
    return %c0_i32, %c0_i32_0 : i32, i32
  }
}

module attributes {stable_mosaic.version = 14 : i64} {
  func.func @_fin_body(%arg0: i32, %arg1: memref<2048x128xf32, #tpu.memory_space<vmem>>, %arg2: memref<1x128xf32, #tpu.memory_space<vmem>>, %arg3: memref<1x128xf32, #tpu.memory_space<vmem>>, %arg4: memref<1x128xf32, #tpu.memory_space<vmem>>, %arg5: memref<1x128xf32, #tpu.memory_space<vmem>>, %arg6: memref<2048x128xf32, #tpu.memory_space<vmem>>) attributes {dimension_semantics = [#tpu.dimension_semantics<arbitrary>], iteration_bounds = array<i64: 16>, scalar_prefetch = 0 : i64, scratch_operands = 0 : i64, tpu.core_type = #tpu.core_type<tc>, window_params = [{transform_indices = @transform_0, window_bounds = array<i64: 2048, 128>}, {pipeline_mode = #tpu.pipeline_mode<synchronous>, transform_indices = @transform_1, window_bounds = array<i64: 1, 128>}, {pipeline_mode = #tpu.pipeline_mode<synchronous>, transform_indices = @transform_2, window_bounds = array<i64: 1, 128>}, {pipeline_mode = #tpu.pipeline_mode<synchronous>, transform_indices = @transform_3, window_bounds = array<i64: 1, 128>}, {pipeline_mode = #tpu.pipeline_mode<synchronous>, transform_indices = @transform_4, window_bounds = array<i64: 1, 128>}, {transform_indices = @transform_5, window_bounds = array<i64: 2048, 128>}]} {
    %get3A = arith.constant 0 : index
    %get3A_0 = arith.constant 0 : index
    %get3A_1 = vector.load %arg2[%get3A, %get3A_0] : memref<1x128xf32, #tpu.memory_space<vmem>>, vector<1x128xf32>
    %div3A = arith.constant 5.242880e+05 : f32
    %div3A_2 = vector.broadcast %div3A : f32 to vector<1x128xf32>
    %div3A_3 = arith.divf %get3A_1, %div3A_2 : vector<1x128xf32>
    %get3A_4 = arith.constant 0 : index
    %get3A_5 = arith.constant 0 : index
    %get3A_6 = vector.load %arg3[%get3A_4, %get3A_5] : memref<1x128xf32, #tpu.memory_space<vmem>>, vector<1x128xf32>
    %div3A_7 = arith.constant 5.242880e+05 : f32
    %div3A_8 = vector.broadcast %div3A_7 : f32 to vector<1x128xf32>
    %div3A_9 = arith.divf %get3A_6, %div3A_8 : vector<1x128xf32>
    %mul3A = arith.mulf %div3A_3, %div3A_3 : vector<1x128xf32>
    %sub3A = arith.subf %div3A_9, %mul3A : vector<1x128xf32>
    %add3A = arith.constant 9.99999974E-6 : f32
    %add3A_10 = vector.broadcast %add3A : f32 to vector<1x128xf32>
    %add3A_11 = arith.addf %sub3A, %add3A_10 : vector<1x128xf32>
    %rsqrt3A = math.rsqrt %add3A_11 : vector<1x128xf32>
    %get3A_12 = arith.constant 0 : index
    %get3A_13 = arith.constant 0 : index
    %get3A_14 = vector.load %arg4[%get3A_12, %get3A_13] : memref<1x128xf32, #tpu.memory_space<vmem>>, vector<1x128xf32>
    %mul3A_15 = arith.mulf %rsqrt3A, %get3A_14 : vector<1x128xf32>
    %get3A_16 = arith.constant 0 : index
    %get3A_17 = arith.constant 0 : index
    %get3A_18 = vector.load %arg1[%get3A_16, %get3A_17] : memref<2048x128xf32, #tpu.memory_space<vmem>>, vector<2048x128xf32>
    %sub3A_19 = vector.broadcast %div3A_3 : vector<1x128xf32> to vector<2048x128xf32>
    %sub3A_20 = arith.subf %get3A_18, %sub3A_19 : vector<2048x128xf32>
    %mul3A_21 = vector.broadcast %mul3A_15 : vector<1x128xf32> to vector<2048x128xf32>
    %mul3A_22 = arith.mulf %sub3A_20, %mul3A_21 : vector<2048x128xf32>
    %get3A_23 = arith.constant 0 : index
    %get3A_24 = arith.constant 0 : index
    %get3A_25 = vector.load %arg5[%get3A_23, %get3A_24] : memref<1x128xf32, #tpu.memory_space<vmem>>, vector<1x128xf32>
    %add3A_26 = vector.broadcast %get3A_25 : vector<1x128xf32> to vector<2048x128xf32>
    %add3A_27 = arith.addf %mul3A_22, %add3A_26 : vector<2048x128xf32>
    %ge3A = arith.constant 0.000000e+00 : f32
    %ge3A_28 = vector.broadcast %ge3A : f32 to vector<2048x128xf32>
    %ge3A_29 = arith.cmpf oge, %add3A_27, %ge3A_28 : vector<2048x128xf32>
    %mul3A_30 = arith.constant 2.000000e-01 : f32
    %mul3A_31 = vector.broadcast %mul3A_30 : f32 to vector<2048x128xf32>
    %mul3A_32 = arith.mulf %mul3A_31, %add3A_27 : vector<2048x128xf32>
    %select_n3A = arith.select %ge3A_29, %add3A_27, %mul3A_32 : vector<2048x128xi1>, vector<2048x128xf32>
    %swap3A = arith.constant 0 : index
    %swap3A_33 = arith.constant 0 : index
    %swap3A_34 = vector.load %arg6[%swap3A, %swap3A_33] : memref<2048x128xf32, #tpu.memory_space<vmem>>, vector<2048x128xf32>
    tpu.vector_store %arg6[%swap3A, %swap3A_33], %select_n3A {strides = array<i32>} : memref<2048x128xf32, #tpu.memory_space<vmem>>, vector<2048x128xf32>,
    return
  }
  func.func @transform_0(%arg0: i32) -> (i32, i32) {
    %c0_i32 = arith.constant 0 : i32
    %c0_i32_0 = arith.constant 0 : i32
    return %arg0, %c0_i32 : i32, i32
  }
  func.func @transform_1(%arg0: i32) -> (i32, i32) {
    %c0_i32 = arith.constant 0 : i32
    %c0_i32_0 = arith.constant 0 : i32
    %c0_i32_1 = arith.constant 0 : i32
    return %c0_i32, %c0_i32_0 : i32, i32
  }
  func.func @transform_2(%arg0: i32) -> (i32, i32) {
    %c0_i32 = arith.constant 0 : i32
    %c0_i32_0 = arith.constant 0 : i32
    %c0_i32_1 = arith.constant 0 : i32
    return %c0_i32, %c0_i32_0 : i32, i32
  }
  func.func @transform_3(%arg0: i32) -> (i32, i32) {
    %c0_i32 = arith.constant 0 : i32
    %c0_i32_0 = arith.constant 0 : i32
    %c0_i32_1 = arith.constant 0 : i32
    return %c0_i32, %c0_i32_0 : i32, i32
  }
  func.func @transform_4(%arg0: i32) -> (i32, i32) {
    %c0_i32 = arith.constant 0 : i32
    %c0_i32_0 = arith.constant 0 : i32
    %c0_i32_1 = arith.constant 0 : i32
    return %c0_i32, %c0_i32_0 : i32, i32
  }
  func.func @transform_5(%arg0: i32) -> (i32, i32) {
    %c0_i32 = arith.constant 0 : i32
    %c0_i32_0 = arith.constant 0 : i32
    return %arg0, %c0_i32 : i32, i32
  }
}

module attributes {stable_mosaic.version = 14 : i64} {
  func.func @_edge_body(%arg0: i32, %arg1: memref<256x128xf32, #tpu.memory_space<vmem>>, %arg2: memref<4096x128xf32, #tpu.memory_space<vmem>>, %arg3: memref<128x256xbf16, #tpu.memory_space<vmem>>, %arg4: memref<128x256xbf16, #tpu.memory_space<vmem>>, %arg5: memref<1x256xf32, #tpu.memory_space<vmem>>, %arg6: memref<256x256xf32, #tpu.memory_space<vmem>>, %arg7: memref<1x256xf32, #tpu.memory_space<vmem>>, %arg8: memref<1x256xf32, #tpu.memory_space<vmem>>) attributes {dimension_semantics = [#tpu.dimension_semantics<arbitrary>], iteration_bounds = array<i64: 128>, scalar_prefetch = 0 : i64, scratch_operands = 0 : i64, tpu.core_type = #tpu.core_type<tc>, window_params = [{transform_indices = @transform_0, window_bounds = array<i64: 256, 128>}, {transform_indices = @transform_1, window_bounds = array<i64: 4096, 128>}, {pipeline_mode = #tpu.pipeline_mode<synchronous>, transform_indices = @transform_2, window_bounds = array<i64: 128, 256>}, {pipeline_mode = #tpu.pipeline_mode<synchronous>, transform_indices = @transform_3, window_bounds = array<i64: 128, 256>}, {pipeline_mode = #tpu.pipeline_mode<synchronous>, transform_indices = @transform_4, window_bounds = array<i64: 1, 256>}, {transform_indices = @transform_5, window_bounds = array<i64: 256, 256>}, {pipeline_mode = #tpu.pipeline_mode<synchronous>, transform_indices = @transform_6, window_bounds = array<i64: 1, 256>}, {pipeline_mode = #tpu.pipeline_mode<synchronous>, transform_indices = @transform_7, window_bounds = array<i64: 1, 256>}]} {
    %get3A = arith.constant 0 : index
    %get3A_0 = arith.constant 0 : index
    %get3A_1 = vector.load %arg1[%get3A, %get3A_0] : memref<256x128xf32, #tpu.memory_space<vmem>>, vector<256x128xf32>
    %get3A_2 = arith.constant 0 : index
    %get3A_3 = arith.constant 0 : index
    %get3A_4 = vector.load %arg2[%get3A_2, %get3A_3] : memref<4096x128xf32, #tpu.memory_space<vmem>>, vector<4096x128xf32>
    %convert_element_type3A = arith.truncf %get3A_1 : vector<256x128xf32> to vector<256x128xbf16>
    %get3A_5 = arith.constant 0 : index
    %get3A_6 = arith.constant 0 : index
    %get3A_7 = vector.load %arg3[%get3A_5, %get3A_6] : memref<128x256xbf16, #tpu.memory_space<vmem>>, vector<128x256xbf16>
    %dot_general3A = arith.constant dense<0.000000e+00> : vector<256x256xf32>
    %dot_general3A_8 = tpu.matmul %convert_element_type3A, %get3A_7, %dot_general3A {dimension_numbers = #tpu.dot_dimension_numbers<[1], [0], [0], [1], [0, 0, 1, 1], [], []>, transpose_lhs_hint = false} : vector<256x128xbf16>, vector<128x256xbf16>, vector<256x256xf32> -> vector<256x256xf32>
    %reshape3A = vector.shape_cast %get3A_4 : vector<4096x128xf32> to vector<256x16x128xf32>
    %broadcast_in_dim3A = vector.shape_cast %get3A_1 : vector<256x128xf32> to vector<256x1x128xf32>
    %sub3A = vector.broadcast %broadcast_in_dim3A : vector<256x1x128xf32> to vector<256x16x128xf32>
    %sub3A_9 = arith.subf %reshape3A, %sub3A : vector<256x16x128xf32>
    %convert_element_type3A_10 = arith.truncf %sub3A_9 : vector<256x16x128xf32> to vector<256x16x128xbf16>
    %reshape3A_11 = vector.shape_cast %convert_element_type3A_10 : vector<256x16x128xbf16> to vector<4096x128xbf16>
    %get3A_12 = arith.constant 0 : index
    %get3A_13 = arith.constant 0 : index
    %get3A_14 = vector.load %arg4[%get3A_12, %get3A_13] : memref<128x256xbf16, #tpu.memory_space<vmem>>, vector<128x256xbf16>
    %dot_general3A_15 = arith.constant dense<0.000000e+00> : vector<4096x256xf32>
    %dot_general3A_16 = tpu.matmul %reshape3A_11, %get3A_14, %dot_general3A_15 {dimension_numbers = #tpu.dot_dimension_numbers<[1], [0], [0], [1], [0, 0, 1, 1], [], []>, transpose_lhs_hint = false} : vector<4096x128xbf16>, vector<128x256xbf16>, vector<4096x256xf32> -> vector<4096x256xf32>
    %reshape3A_17 = vector.shape_cast %dot_general3A_16 : vector<4096x256xf32> to vector<256x16x256xf32>
    %broadcast_in_dim3A_18 = vector.shape_cast %dot_general3A_8 : vector<256x256xf32> to vector<256x1x256xf32>
    %add3A = vector.broadcast %broadcast_in_dim3A_18 : vector<256x1x256xf32> to vector<256x16x256xf32>
    %add3A_19 = arith.addf %reshape3A_17, %add3A : vector<256x16x256xf32>
    %get3A_20 = arith.constant 0 : index
    %get3A_21 = arith.constant 0 : index
    %get3A_22 = vector.load %arg5[%get3A_20, %get3A_21] : memref<1x256xf32, #tpu.memory_space<vmem>>, vector<1x256xf32>
    %broadcast_in_dim3A_23 = vector.shape_cast %get3A_22 : vector<1x256xf32> to vector<1x1x256xf32>
    %add3A_24 = vector.broadcast %broadcast_in_dim3A_23 : vector<1x1x256xf32> to vector<256x16x256xf32>
    %add3A_25 = arith.addf %add3A_19, %add3A_24 : vector<256x16x256xf32>
    %reduce_max3A = arith.constant dense<0xFF800000> : vector<256x256xf32>
    %reduce_max3A_26 = vector.multi_reduction <maximumf>, %add3A_25, %reduce_max3A [1] : vector<256x16x256xf32> to vector<256x256xf32>
    %swap3A = arith.constant 0 : index
    %swap3A_27 = arith.constant 0 : index
    %swap3A_28 = vector.load %arg6[%swap3A, %swap3A_27] : memref<256x256xf32, #tpu.memory_space<vmem>>, vector<256x256xf32>
    tpu.vector_store %arg6[%swap3A, %swap3A_27], %reduce_max3A_26 {strides = array<i32>} : memref<256x256xf32, #tpu.memory_space<vmem>>, vector<256x256xf32>,
    %reduce_sum3A = arith.constant dense<0.000000e+00> : vector<256x256xf32>
    %reduce_sum3A_29 = vector.multi_reduction <add>, %add3A_25, %reduce_sum3A [1] : vector<256x16x256xf32> to vector<256x256xf32>
    %reduce_sum3A_30 = arith.constant dense<0.000000e+00> : vector<256xf32>
    %reduce_sum3A_31 = vector.multi_reduction <add>, %reduce_sum3A_29, %reduce_sum3A_30 [0] : vector<256x256xf32> to vector<256xf32>
    %broadcast_in_dim3A_32 = vector.shape_cast %reduce_sum3A_31 : vector<256xf32> to vector<1x256xf32>
    %mul3A = arith.mulf %add3A_25, %add3A_25 : vector<256x16x256xf32>
    %reduce_sum3A_33 = arith.constant dense<0.000000e+00> : vector<256x256xf32>
    %reduce_sum3A_34 = vector.multi_reduction <add>, %mul3A, %reduce_sum3A_33 [1] : vector<256x16x256xf32> to vector<256x256xf32>
    %reduce_sum3A_35 = arith.constant dense<0.000000e+00> : vector<256xf32>
    %reduce_sum3A_36 = vector.multi_reduction <add>, %reduce_sum3A_34, %reduce_sum3A_35 [0] : vector<256x256xf32> to vector<256xf32>
    %broadcast_in_dim3A_37 = vector.shape_cast %reduce_sum3A_36 : vector<256xf32> to vector<1x256xf32>
    %eq3A = arith.constant 0 : i32
    %eq3A_38 = arith.cmpi eq, %arg0, %eq3A : i32
    %convert_element_type3A_39 = arith.extui %eq3A_38 : i1 to i32
    %cond3A = arith.constant 0 : i32
    %cond3A_40 = arith.cmpi ne, %convert_element_type3A_39, %cond3A : i32
    scf.if %cond3A_40 {
      %broadcast_in_dim3A_55 = arith.constant 0.000000e+00 : f32
      %broadcast_in_dim3A_56 = vector.broadcast %broadcast_in_dim3A_55 : f32 to vector<1x256xf32>
      %swap3A_57 = arith.constant 0 : index
      %swap3A_58 = arith.constant 0 : index
      %swap3A_59 = vector.load %arg7[%swap3A_57, %swap3A_58] : memref<1x256xf32, #tpu.memory_space<vmem>>, vector<1x256xf32>
      tpu.vector_store %arg7[%swap3A_57, %swap3A_58], %broadcast_in_dim3A_56 {strides = array<i32>} : memref<1x256xf32, #tpu.memory_space<vmem>>, vector<1x256xf32>,
      %broadcast_in_dim3A_60 = arith.constant 0.000000e+00 : f32
      %broadcast_in_dim3A_61 = vector.broadcast %broadcast_in_dim3A_60 : f32 to vector<1x256xf32>
      %swap3A_62 = arith.constant 0 : index
      %swap3A_63 = arith.constant 0 : index
      %swap3A_64 = vector.load %arg8[%swap3A_62, %swap3A_63] : memref<1x256xf32, #tpu.memory_space<vmem>>, vector<1x256xf32>
      tpu.vector_store %arg8[%swap3A_62, %swap3A_63], %broadcast_in_dim3A_61 {strides = array<i32>} : memref<1x256xf32, #tpu.memory_space<vmem>>, vector<1x256xf32>,
    } else {
    }
    %get3A_41 = arith.constant 0 : index
    %get3A_42 = arith.constant 0 : index
    %get3A_43 = vector.load %arg7[%get3A_41, %get3A_42] : memref<1x256xf32, #tpu.memory_space<vmem>>, vector<1x256xf32>
    %add3A_44 = arith.addf %get3A_43, %broadcast_in_dim3A_32 : vector<1x256xf32>
    %swap3A_45 = arith.constant 0 : index
    %swap3A_46 = arith.constant 0 : index
    %swap3A_47 = vector.load %arg7[%swap3A_45, %swap3A_46] : memref<1x256xf32, #tpu.memory_space<vmem>>, vector<1x256xf32>
    tpu.vector_store %arg7[%swap3A_45, %swap3A_46], %add3A_44 {strides = array<i32>} : memref<1x256xf32, #tpu.memory_space<vmem>>, vector<1x256xf32>,
    %get3A_48 = arith.constant 0 : index
    %get3A_49 = arith.constant 0 : index
    %get3A_50 = vector.load %arg8[%get3A_48, %get3A_49] : memref<1x256xf32, #tpu.memory_space<vmem>>, vector<1x256xf32>
    %add3A_51 = arith.addf %get3A_50, %broadcast_in_dim3A_37 : vector<1x256xf32>
    %swap3A_52 = arith.constant 0 : index
    %swap3A_53 = arith.constant 0 : index
    %swap3A_54 = vector.load %arg8[%swap3A_52, %swap3A_53] : memref<1x256xf32, #tpu.memory_space<vmem>>, vector<1x256xf32>
    tpu.vector_store %arg8[%swap3A_52, %swap3A_53], %add3A_51 {strides = array<i32>} : memref<1x256xf32, #tpu.memory_space<vmem>>, vector<1x256xf32>,
    return
  }
  func.func @transform_0(%arg0: i32) -> (i32, i32) {
    %c0_i32 = arith.constant 0 : i32
    %c0_i32_0 = arith.constant 0 : i32
    return %arg0, %c0_i32 : i32, i32
  }
  func.func @transform_1(%arg0: i32) -> (i32, i32) {
    %c0_i32 = arith.constant 0 : i32
    %c0_i32_0 = arith.constant 0 : i32
    return %arg0, %c0_i32 : i32, i32
  }
  func.func @transform_2(%arg0: i32) -> (i32, i32) {
    %c0_i32 = arith.constant 0 : i32
    %c0_i32_0 = arith.constant 0 : i32
    %c0_i32_1 = arith.constant 0 : i32
    return %c0_i32, %c0_i32_0 : i32, i32
  }
  func.func @transform_3(%arg0: i32) -> (i32, i32) {
    %c0_i32 = arith.constant 0 : i32
    %c0_i32_0 = arith.constant 0 : i32
    %c0_i32_1 = arith.constant 0 : i32
    return %c0_i32, %c0_i32_0 : i32, i32
  }
  func.func @transform_4(%arg0: i32) -> (i32, i32) {
    %c0_i32 = arith.constant 0 : i32
    %c0_i32_0 = arith.constant 0 : i32
    %c0_i32_1 = arith.constant 0 : i32
    return %c0_i32, %c0_i32_0 : i32, i32
  }
  func.func @transform_5(%arg0: i32) -> (i32, i32) {
    %c0_i32 = arith.constant 0 : i32
    %c0_i32_0 = arith.constant 0 : i32
    return %arg0, %c0_i32 : i32, i32
  }
  func.func @transform_6(%arg0: i32) -> (i32, i32) {
    %c0_i32 = arith.constant 0 : i32
    %c0_i32_0 = arith.constant 0 : i32
    %c0_i32_1 = arith.constant 0 : i32
    return %c0_i32, %c0_i32_0 : i32, i32
  }
  func.func @transform_7(%arg0: i32) -> (i32, i32) {
    %c0_i32 = arith.constant 0 : i32
    %c0_i32_0 = arith.constant 0 : i32
    %c0_i32_1 = arith.constant 0 : i32
    return %c0_i32, %c0_i32_0 : i32, i32
  }
}

module attributes {stable_mosaic.version = 14 : i64} {
  func.func @_fin_body(%arg0: i32, %arg1: memref<2048x256xf32, #tpu.memory_space<vmem>>, %arg2: memref<1x256xf32, #tpu.memory_space<vmem>>, %arg3: memref<1x256xf32, #tpu.memory_space<vmem>>, %arg4: memref<1x256xf32, #tpu.memory_space<vmem>>, %arg5: memref<1x256xf32, #tpu.memory_space<vmem>>, %arg6: memref<2048x256xf32, #tpu.memory_space<vmem>>) attributes {dimension_semantics = [#tpu.dimension_semantics<arbitrary>], iteration_bounds = array<i64: 16>, scalar_prefetch = 0 : i64, scratch_operands = 0 : i64, tpu.core_type = #tpu.core_type<tc>, window_params = [{transform_indices = @transform_0, window_bounds = array<i64: 2048, 256>}, {pipeline_mode = #tpu.pipeline_mode<synchronous>, transform_indices = @transform_1, window_bounds = array<i64: 1, 256>}, {pipeline_mode = #tpu.pipeline_mode<synchronous>, transform_indices = @transform_2, window_bounds = array<i64: 1, 256>}, {pipeline_mode = #tpu.pipeline_mode<synchronous>, transform_indices = @transform_3, window_bounds = array<i64: 1, 256>}, {pipeline_mode = #tpu.pipeline_mode<synchronous>, transform_indices = @transform_4, window_bounds = array<i64: 1, 256>}, {transform_indices = @transform_5, window_bounds = array<i64: 2048, 256>}]} {
    %get3A = arith.constant 0 : index
    %get3A_0 = arith.constant 0 : index
    %get3A_1 = vector.load %arg2[%get3A, %get3A_0] : memref<1x256xf32, #tpu.memory_space<vmem>>, vector<1x256xf32>
    %div3A = arith.constant 5.242880e+05 : f32
    %div3A_2 = vector.broadcast %div3A : f32 to vector<1x256xf32>
    %div3A_3 = arith.divf %get3A_1, %div3A_2 : vector<1x256xf32>
    %get3A_4 = arith.constant 0 : index
    %get3A_5 = arith.constant 0 : index
    %get3A_6 = vector.load %arg3[%get3A_4, %get3A_5] : memref<1x256xf32, #tpu.memory_space<vmem>>, vector<1x256xf32>
    %div3A_7 = arith.constant 5.242880e+05 : f32
    %div3A_8 = vector.broadcast %div3A_7 : f32 to vector<1x256xf32>
    %div3A_9 = arith.divf %get3A_6, %div3A_8 : vector<1x256xf32>
    %mul3A = arith.mulf %div3A_3, %div3A_3 : vector<1x256xf32>
    %sub3A = arith.subf %div3A_9, %mul3A : vector<1x256xf32>
    %add3A = arith.constant 9.99999974E-6 : f32
    %add3A_10 = vector.broadcast %add3A : f32 to vector<1x256xf32>
    %add3A_11 = arith.addf %sub3A, %add3A_10 : vector<1x256xf32>
    %rsqrt3A = math.rsqrt %add3A_11 : vector<1x256xf32>
    %get3A_12 = arith.constant 0 : index
    %get3A_13 = arith.constant 0 : index
    %get3A_14 = vector.load %arg4[%get3A_12, %get3A_13] : memref<1x256xf32, #tpu.memory_space<vmem>>, vector<1x256xf32>
    %mul3A_15 = arith.mulf %rsqrt3A, %get3A_14 : vector<1x256xf32>
    %get3A_16 = arith.constant 0 : index
    %get3A_17 = arith.constant 0 : index
    %get3A_18 = vector.load %arg1[%get3A_16, %get3A_17] : memref<2048x256xf32, #tpu.memory_space<vmem>>, vector<2048x256xf32>
    %sub3A_19 = vector.broadcast %div3A_3 : vector<1x256xf32> to vector<2048x256xf32>
    %sub3A_20 = arith.subf %get3A_18, %sub3A_19 : vector<2048x256xf32>
    %mul3A_21 = vector.broadcast %mul3A_15 : vector<1x256xf32> to vector<2048x256xf32>
    %mul3A_22 = arith.mulf %sub3A_20, %mul3A_21 : vector<2048x256xf32>
    %get3A_23 = arith.constant 0 : index
    %get3A_24 = arith.constant 0 : index
    %get3A_25 = vector.load %arg5[%get3A_23, %get3A_24] : memref<1x256xf32, #tpu.memory_space<vmem>>, vector<1x256xf32>
    %add3A_26 = vector.broadcast %get3A_25 : vector<1x256xf32> to vector<2048x256xf32>
    %add3A_27 = arith.addf %mul3A_22, %add3A_26 : vector<2048x256xf32>
    %ge3A = arith.constant 0.000000e+00 : f32
    %ge3A_28 = vector.broadcast %ge3A : f32 to vector<2048x256xf32>
    %ge3A_29 = arith.cmpf oge, %add3A_27, %ge3A_28 : vector<2048x256xf32>
    %mul3A_30 = arith.constant 2.000000e-01 : f32
    %mul3A_31 = vector.broadcast %mul3A_30 : f32 to vector<2048x256xf32>
    %mul3A_32 = arith.mulf %mul3A_31, %add3A_27 : vector<2048x256xf32>
    %select_n3A = arith.select %ge3A_29, %add3A_27, %mul3A_32 : vector<2048x256xi1>, vector<2048x256xf32>
    %swap3A = arith.constant 0 : index
    %swap3A_33 = arith.constant 0 : index
    %swap3A_34 = vector.load %arg6[%swap3A, %swap3A_33] : memref<2048x256xf32, #tpu.memory_space<vmem>>, vector<2048x256xf32>
    tpu.vector_store %arg6[%swap3A, %swap3A_33], %select_n3A {strides = array<i32>} : memref<2048x256xf32, #tpu.memory_space<vmem>>, vector<2048x256xf32>,
    return
  }
  func.func @transform_0(%arg0: i32) -> (i32, i32) {
    %c0_i32 = arith.constant 0 : i32
    %c0_i32_0 = arith.constant 0 : i32
    return %arg0, %c0_i32 : i32, i32
  }
  func.func @transform_1(%arg0: i32) -> (i32, i32) {
    %c0_i32 = arith.constant 0 : i32
    %c0_i32_0 = arith.constant 0 : i32
    %c0_i32_1 = arith.constant 0 : i32
    return %c0_i32, %c0_i32_0 : i32, i32
  }
  func.func @transform_2(%arg0: i32) -> (i32, i32) {
    %c0_i32 = arith.constant 0 : i32
    %c0_i32_0 = arith.constant 0 : i32
    %c0_i32_1 = arith.constant 0 : i32
    return %c0_i32, %c0_i32_0 : i32, i32
  }
  func.func @transform_3(%arg0: i32) -> (i32, i32) {
    %c0_i32 = arith.constant 0 : i32
    %c0_i32_0 = arith.constant 0 : i32
    %c0_i32_1 = arith.constant 0 : i32
    return %c0_i32, %c0_i32_0 : i32, i32
  }
  func.func @transform_4(%arg0: i32) -> (i32, i32) {
    %c0_i32 = arith.constant 0 : i32
    %c0_i32_0 = arith.constant 0 : i32
    %c0_i32_1 = arith.constant 0 : i32
    return %c0_i32, %c0_i32_0 : i32, i32
  }
  func.func @transform_5(%arg0: i32) -> (i32, i32) {
    %c0_i32 = arith.constant 0 : i32
    %c0_i32_0 = arith.constant 0 : i32
    return %arg0, %c0_i32 : i32, i32
  }
}

module attributes {stable_mosaic.version = 14 : i64} {
  func.func @_glayer_body(%arg0: i32, %arg1: memref<2048x256xf32, #tpu.memory_space<vmem>>, %arg2: memref<256x256xbf16, #tpu.memory_space<vmem>>, %arg3: memref<1x256xf32, #tpu.memory_space<vmem>>, %arg4: memref<1x1x256xf32, #tpu.memory_space<vmem>>, %arg5: memref<1x256xf32, #tpu.memory_space<vmem>>, %arg6: memref<1x256xf32, #tpu.memory_space<vmem>>) attributes {dimension_semantics = [#tpu.dimension_semantics<arbitrary>], iteration_bounds = array<i64: 16>, scalar_prefetch = 0 : i64, scratch_operands = 0 : i64, tpu.core_type = #tpu.core_type<tc>, window_params = [{transform_indices = @transform_0, window_bounds = array<i64: 2048, 256>}, {pipeline_mode = #tpu.pipeline_mode<synchronous>, transform_indices = @transform_1, window_bounds = array<i64: 256, 256>}, {pipeline_mode = #tpu.pipeline_mode<synchronous>, transform_indices = @transform_2, window_bounds = array<i64: 1, 256>}, {transform_indices = @transform_3, window_bounds = array<i64: 1, 1, 256>}, {pipeline_mode = #tpu.pipeline_mode<synchronous>, transform_indices = @transform_4, window_bounds = array<i64: 1, 256>}, {pipeline_mode = #tpu.pipeline_mode<synchronous>, transform_indices = @transform_5, window_bounds = array<i64: 1, 256>}]} {
    %get3A = arith.constant 0 : index
    %get3A_0 = arith.constant 0 : index
    %get3A_1 = vector.load %arg1[%get3A, %get3A_0] : memref<2048x256xf32, #tpu.memory_space<vmem>>, vector<2048x256xf32>
    %convert_element_type3A = arith.truncf %get3A_1 : vector<2048x256xf32> to vector<2048x256xbf16>
    %get3A_2 = arith.constant 0 : index
    %get3A_3 = arith.constant 0 : index
    %get3A_4 = vector.load %arg2[%get3A_2, %get3A_3] : memref<256x256xbf16, #tpu.memory_space<vmem>>, vector<256x256xbf16>
    %dot_general3A = arith.constant dense<0.000000e+00> : vector<2048x256xf32>
    %dot_general3A_5 = tpu.matmul %convert_element_type3A, %get3A_4, %dot_general3A {dimension_numbers = #tpu.dot_dimension_numbers<[1], [0], [0], [1], [0, 0, 1, 1], [], []>, transpose_lhs_hint = false} : vector<2048x256xbf16>, vector<256x256xbf16>, vector<2048x256xf32> -> vector<2048x256xf32>
    %get3A_6 = arith.constant 0 : index
    %get3A_7 = arith.constant 0 : index
    %get3A_8 = vector.load %arg3[%get3A_6, %get3A_7] : memref<1x256xf32, #tpu.memory_space<vmem>>, vector<1x256xf32>
    %add3A = vector.broadcast %get3A_8 : vector<1x256xf32> to vector<2048x256xf32>
    %add3A_9 = arith.addf %dot_general3A_5, %add3A : vector<2048x256xf32>
    %reduce_max3A = arith.constant dense<0xFF800000> : vector<256xf32>
    %reduce_max3A_10 = vector.multi_reduction <maximumf>, %add3A_9, %reduce_max3A [0] : vector<2048x256xf32> to vector<256xf32>
    %broadcast_in_dim3A = vector.shape_cast %reduce_max3A_10 : vector<256xf32> to vector<1x256xf32>
    %broadcast_in_dim3A_11 = vector.shape_cast %broadcast_in_dim3A : vector<1x256xf32> to vector<1x1x256xf32>
    %swap3A = arith.constant 0 : index
    %swap3A_12 = arith.constant 0 : index
    %swap3A_13 = arith.constant 0 : index
    %swap3A_14 = vector.load %arg4[%swap3A, %swap3A_12, %swap3A_13] : memref<1x1x256xf32, #tpu.memory_space<vmem>>, vector<1x1x256xf32>
    tpu.vector_store %arg4[%swap3A, %swap3A_12, %swap3A_13], %broadcast_in_dim3A_11 {strides = array<i32>} : memref<1x1x256xf32, #tpu.memory_space<vmem>>, vector<1x1x256xf32>,
    %eq3A = arith.constant 0 : i32
    %eq3A_15 = arith.cmpi eq, %arg0, %eq3A : i32
    %convert_element_type3A_16 = arith.extui %eq3A_15 : i1 to i32
    %cond3A = arith.constant 0 : i32
    %cond3A_17 = arith.cmpi ne, %convert_element_type3A_16, %cond3A : i32
    scf.if %cond3A_17 {
      %broadcast_in_dim3A_37 = arith.constant 0.000000e+00 : f32
      %broadcast_in_dim3A_38 = vector.broadcast %broadcast_in_dim3A_37 : f32 to vector<1x256xf32>
      %swap3A_39 = arith.constant 0 : index
      %swap3A_40 = arith.constant 0 : index
      %swap3A_41 = vector.load %arg5[%swap3A_39, %swap3A_40] : memref<1x256xf32, #tpu.memory_space<vmem>>, vector<1x256xf32>
      tpu.vector_store %arg5[%swap3A_39, %swap3A_40], %broadcast_in_dim3A_38 {strides = array<i32>} : memref<1x256xf32, #tpu.memory_space<vmem>>, vector<1x256xf32>,
      %broadcast_in_dim3A_42 = arith.constant 0.000000e+00 : f32
      %broadcast_in_dim3A_43 = vector.broadcast %broadcast_in_dim3A_42 : f32 to vector<1x256xf32>
      %swap3A_44 = arith.constant 0 : index
      %swap3A_45 = arith.constant 0 : index
      %swap3A_46 = vector.load %arg6[%swap3A_44, %swap3A_45] : memref<1x256xf32, #tpu.memory_space<vmem>>, vector<1x256xf32>
      tpu.vector_store %arg6[%swap3A_44, %swap3A_45], %broadcast_in_dim3A_43 {strides = array<i32>} : memref<1x256xf32, #tpu.memory_space<vmem>>, vector<1x256xf32>,
    } else {
    }
    %get3A_18 = arith.constant 0 : index
    %get3A_19 = arith.constant 0 : index
    %get3A_20 = vector.load %arg5[%get3A_18, %get3A_19] : memref<1x256xf32, #tpu.memory_space<vmem>>, vector<1x256xf32>
    %reduce_sum3A = arith.constant dense<0.000000e+00> : vector<256xf32>
    %reduce_sum3A_21 = vector.multi_reduction <add>, %add3A_9, %reduce_sum3A [0] : vector<2048x256xf32> to vector<256xf32>
    %broadcast_in_dim3A_22 = vector.shape_cast %reduce_sum3A_21 : vector<256xf32> to vector<1x256xf32>
    %add3A_23 = arith.addf %get3A_20, %broadcast_in_dim3A_22 : vector<1x256xf32>
    %swap3A_24 = arith.constant 0 : index
    %swap3A_25 = arith.constant 0 : index
    %swap3A_26 = vector.load %arg5[%swap3A_24, %swap3A_25] : memref<1x256xf32, #tpu.memory_space<vmem>>, vector<1x256xf32>
    tpu.vector_store %arg5[%swap3A_24, %swap3A_25], %add3A_23 {strides = array<i32>} : memref<1x256xf32, #tpu.memory_space<vmem>>, vector<1x256xf32>,
    %get3A_27 = arith.constant 0 : index
    %get3A_28 = arith.constant 0 : index
    %get3A_29 = vector.load %arg6[%get3A_27, %get3A_28] : memref<1x256xf32, #tpu.memory_space<vmem>>, vector<1x256xf32>
    %mul3A = arith.mulf %add3A_9, %add3A_9 : vector<2048x256xf32>
    %reduce_sum3A_30 = arith.constant dense<0.000000e+00> : vector<256xf32>
    %reduce_sum3A_31 = vector.multi_reduction <add>, %mul3A, %reduce_sum3A_30 [0] : vector<2048x256xf32> to vector<256xf32>
    %broadcast_in_dim3A_32 = vector.shape_cast %reduce_sum3A_31 : vector<256xf32> to vector<1x256xf32>
    %add3A_33 = arith.addf %get3A_29, %broadcast_in_dim3A_32 : vector<1x256xf32>
    %swap3A_34 = arith.constant 0 : index
    %swap3A_35 = arith.constant 0 : index
    %swap3A_36 = vector.load %arg6[%swap3A_34, %swap3A_35] : memref<1x256xf32, #tpu.memory_space<vmem>>, vector<1x256xf32>
    tpu.vector_store %arg6[%swap3A_34, %swap3A_35], %add3A_33 {strides = array<i32>} : memref<1x256xf32, #tpu.memory_space<vmem>>, vector<1x256xf32>,
    return
  }
  func.func @transform_0(%arg0: i32) -> (i32, i32) {
    %c0_i32 = arith.constant 0 : i32
    %c0_i32_0 = arith.constant 0 : i32
    return %arg0, %c0_i32 : i32, i32
  }
  func.func @transform_1(%arg0: i32) -> (i32, i32) {
    %c0_i32 = arith.constant 0 : i32
    %c0_i32_0 = arith.constant 0 : i32
    %c0_i32_1 = arith.constant 0 : i32
    return %c0_i32, %c0_i32_0 : i32, i32
  }
  func.func @transform_2(%arg0: i32) -> (i32, i32) {
    %c0_i32 = arith.constant 0 : i32
    %c0_i32_0 = arith.constant 0 : i32
    %c0_i32_1 = arith.constant 0 : i32
    return %c0_i32, %c0_i32_0 : i32, i32
  }
  func.func @transform_3(%arg0: i32) -> (i32, i32, i32) {
    %c0_i32 = arith.constant 0 : i32
    %c0_i32_0 = arith.constant 0 : i32
    %c0_i32_1 = arith.constant 0 : i32
    return %arg0, %c0_i32, %c0_i32_0 : i32, i32, i32
  }
  func.func @transform_4(%arg0: i32) -> (i32, i32) {
    %c0_i32 = arith.constant 0 : i32
    %c0_i32_0 = arith.constant 0 : i32
    %c0_i32_1 = arith.constant 0 : i32
    return %c0_i32, %c0_i32_0 : i32, i32
  }
  func.func @transform_5(%arg0: i32) -> (i32, i32) {
    %c0_i32 = arith.constant 0 : i32
    %c0_i32_0 = arith.constant 0 : i32
    %c0_i32_1 = arith.constant 0 : i32
    return %c0_i32, %c0_i32_0 : i32, i32
  }
}

module attributes {stable_mosaic.version = 14 : i64} {
  func.func @_head_body(%arg0: memref<16x256xf32, #tpu.memory_space<vmem>>, %arg1: memref<1x256xf32, #tpu.memory_space<vmem>>, %arg2: memref<1x256xf32, #tpu.memory_space<vmem>>, %arg3: memref<1x256xf32, #tpu.memory_space<vmem>>, %arg4: memref<1x256xf32, #tpu.memory_space<vmem>>, %arg5: memref<256x128xbf16, #tpu.memory_space<vmem>>, %arg6: memref<1x128xf32, #tpu.memory_space<vmem>>, %arg7: memref<1x128xf32, #tpu.memory_space<vmem>>, %arg8: memref<1x128xf32, #tpu.memory_space<vmem>>, %arg9: memref<128x64xbf16, #tpu.memory_space<vmem>>, %arg10: memref<1x64xf32, #tpu.memory_space<vmem>>, %arg11: memref<1x64xf32, #tpu.memory_space<vmem>>, %arg12: memref<1x64xf32, #tpu.memory_space<vmem>>, %arg13: memref<1x64xf32, #tpu.memory_space<vmem>>, %arg14: memref<1x1xf32, #tpu.memory_space<vmem>>, %arg15: memref<16x1xf32, #tpu.memory_space<vmem>>) attributes {dimension_semantics = [], scalar_prefetch = 0 : i64, scratch_operands = 0 : i64, tpu.core_type = #tpu.core_type<tc>} {
    %get3A = arith.constant 0 : index
    %get3A_0 = arith.constant 0 : index
    %get3A_1 = vector.load %arg1[%get3A, %get3A_0] : memref<1x256xf32, #tpu.memory_space<vmem>>, vector<1x256xf32>
    %div3A = arith.constant 3.276800e+04 : f32
    %div3A_2 = vector.broadcast %div3A : f32 to vector<1x256xf32>
    %div3A_3 = arith.divf %get3A_1, %div3A_2 : vector<1x256xf32>
    %get3A_4 = arith.constant 0 : index
    %get3A_5 = arith.constant 0 : index
    %get3A_6 = vector.load %arg2[%get3A_4, %get3A_5] : memref<1x256xf32, #tpu.memory_space<vmem>>, vector<1x256xf32>
    %div3A_7 = arith.constant 3.276800e+04 : f32
    %div3A_8 = vector.broadcast %div3A_7 : f32 to vector<1x256xf32>
    %div3A_9 = arith.divf %get3A_6, %div3A_8 : vector<1x256xf32>
    %mul3A = arith.mulf %div3A_3, %div3A_3 : vector<1x256xf32>
    %sub3A = arith.subf %div3A_9, %mul3A : vector<1x256xf32>
    %get3A_10 = arith.constant 0 : index
    %get3A_11 = arith.constant 0 : index
    %get3A_12 = vector.load %arg0[%get3A_10, %get3A_11] : memref<16x256xf32, #tpu.memory_space<vmem>>, vector<16x256xf32>
    %sub3A_13 = vector.broadcast %div3A_3 : vector<1x256xf32> to vector<16x256xf32>
    %sub3A_14 = arith.subf %get3A_12, %sub3A_13 : vector<16x256xf32>
    %add3A = arith.constant 9.99999974E-6 : f32
    %add3A_15 = vector.broadcast %add3A : f32 to vector<1x256xf32>
    %add3A_16 = arith.addf %sub3A, %add3A_15 : vector<1x256xf32>
    %rsqrt3A = math.rsqrt %add3A_16 : vector<1x256xf32>
    %get3A_17 = arith.constant 0 : index
    %get3A_18 = arith.constant 0 : index
    %get3A_19 = vector.load %arg3[%get3A_17, %get3A_18] : memref<1x256xf32, #tpu.memory_space<vmem>>, vector<1x256xf32>
    %mul3A_20 = arith.mulf %rsqrt3A, %get3A_19 : vector<1x256xf32>
    %mul3A_21 = vector.broadcast %mul3A_20 : vector<1x256xf32> to vector<16x256xf32>
    %mul3A_22 = arith.mulf %sub3A_14, %mul3A_21 : vector<16x256xf32>
    %get3A_23 = arith.constant 0 : index
    %get3A_24 = arith.constant 0 : index
    %get3A_25 = vector.load %arg4[%get3A_23, %get3A_24] : memref<1x256xf32, #tpu.memory_space<vmem>>, vector<1x256xf32>
    %add3A_26 = vector.broadcast %get3A_25 : vector<1x256xf32> to vector<16x256xf32>
    %add3A_27 = arith.addf %mul3A_22, %add3A_26 : vector<16x256xf32>
    %ge3A = arith.constant 0.000000e+00 : f32
    %ge3A_28 = vector.broadcast %ge3A : f32 to vector<16x256xf32>
    %ge3A_29 = arith.cmpf oge, %add3A_27, %ge3A_28 : vector<16x256xf32>
    %mul3A_30 = arith.constant 2.000000e-01 : f32
    %mul3A_31 = vector.broadcast %mul3A_30 : f32 to vector<16x256xf32>
    %mul3A_32 = arith.mulf %mul3A_31, %add3A_27 : vector<16x256xf32>
    %select_n3A = arith.select %ge3A_29, %add3A_27, %mul3A_32 : vector<16x256xi1>, vector<16x256xf32>
    %convert_element_type3A = arith.truncf %select_n3A : vector<16x256xf32> to vector<16x256xbf16>
    %get3A_33 = arith.constant 0 : index
    %get3A_34 = arith.constant 0 : index
    %get3A_35 = vector.load %arg5[%get3A_33, %get3A_34] : memref<256x128xbf16, #tpu.memory_space<vmem>>, vector<256x128xbf16>
    %dot_general3A = arith.constant dense<0.000000e+00> : vector<16x128xf32>
    %dot_general3A_36 = tpu.matmul %convert_element_type3A, %get3A_35, %dot_general3A {dimension_numbers = #tpu.dot_dimension_numbers<[1], [0], [0], [1], [0, 0, 1, 1], [], []>, transpose_lhs_hint = false} : vector<16x256xbf16>, vector<256x128xbf16>, vector<16x128xf32> -> vector<16x128xf32>
    %get3A_37 = arith.constant 0 : index
    %get3A_38 = arith.constant 0 : index
    %get3A_39 = vector.load %arg6[%get3A_37, %get3A_38] : memref<1x128xf32, #tpu.memory_space<vmem>>, vector<1x128xf32>
    %add3A_40 = vector.broadcast %get3A_39 : vector<1x128xf32> to vector<16x128xf32>
    %add3A_41 = arith.addf %dot_general3A_36, %add3A_40 : vector<16x128xf32>
    %reduce_sum3A = arith.constant dense<0.000000e+00> : vector<128xf32>
    %reduce_sum3A_42 = vector.multi_reduction <add>, %add3A_41, %reduce_sum3A [0] : vector<16x128xf32> to vector<128xf32>
    %broadcast_in_dim3A = vector.shape_cast %reduce_sum3A_42 : vector<128xf32> to vector<1x128xf32>
    %div3A_43 = arith.constant 1.600000e+01 : f32
    %div3A_44 = vector.broadcast %div3A_43 : f32 to vector<1x128xf32>
    %div3A_45 = arith.divf %broadcast_in_dim3A, %div3A_44 : vector<1x128xf32>
    %sub3A_46 = vector.broadcast %div3A_45 : vector<1x128xf32> to vector<16x128xf32>
    %sub3A_47 = arith.subf %add3A_41, %sub3A_46 : vector<16x128xf32>
    %integer_pow3A = arith.mulf %sub3A_47, %sub3A_47 : vector<16x128xf32>
    %reduce_sum3A_48 = arith.constant dense<0.000000e+00> : vector<128xf32>
    %reduce_sum3A_49 = vector.multi_reduction <add>, %integer_pow3A, %reduce_sum3A_48 [0] : vector<16x128xf32> to vector<128xf32>
    %broadcast_in_dim3A_50 = vector.shape_cast %reduce_sum3A_49 : vector<128xf32> to vector<1x128xf32>
    %div3A_51 = arith.constant 1.600000e+01 : f32
    %div3A_52 = vector.broadcast %div3A_51 : f32 to vector<1x128xf32>
    %div3A_53 = arith.divf %broadcast_in_dim3A_50, %div3A_52 : vector<1x128xf32>
    %sub3A_54 = vector.broadcast %div3A_45 : vector<1x128xf32> to vector<16x128xf32>
    %sub3A_55 = arith.subf %add3A_41, %sub3A_54 : vector<16x128xf32>
    %add3A_56 = arith.constant 9.99999974E-6 : f32
    %add3A_57 = vector.broadcast %add3A_56 : f32 to vector<1x128xf32>
    %add3A_58 = arith.addf %div3A_53, %add3A_57 : vector<1x128xf32>
    %rsqrt3A_59 = math.rsqrt %add3A_58 : vector<1x128xf32>
    %get3A_60 = arith.constant 0 : index
    %get3A_61 = arith.constant 0 : index
    %get3A_62 = vector.load %arg7[%get3A_60, %get3A_61] : memref<1x128xf32, #tpu.memory_space<vmem>>, vector<1x128xf32>
    %mul3A_63 = arith.mulf %rsqrt3A_59, %get3A_62 : vector<1x128xf32>
    %mul3A_64 = vector.broadcast %mul3A_63 : vector<1x128xf32> to vector<16x128xf32>
    %mul3A_65 = arith.mulf %sub3A_55, %mul3A_64 : vector<16x128xf32>
    %get3A_66 = arith.constant 0 : index
    %get3A_67 = arith.constant 0 : index
    %get3A_68 = vector.load %arg8[%get3A_66, %get3A_67] : memref<1x128xf32, #tpu.memory_space<vmem>>, vector<1x128xf32>
    %add3A_69 = vector.broadcast %get3A_68 : vector<1x128xf32> to vector<16x128xf32>
    %add3A_70 = arith.addf %mul3A_65, %add3A_69 : vector<16x128xf32>
    %ge3A_71 = arith.constant 0.000000e+00 : f32
    %ge3A_72 = vector.broadcast %ge3A_71 : f32 to vector<16x128xf32>
    %ge3A_73 = arith.cmpf oge, %add3A_70, %ge3A_72 : vector<16x128xf32>
    %mul3A_74 = arith.constant 2.000000e-01 : f32
    %mul3A_75 = vector.broadcast %mul3A_74 : f32 to vector<16x128xf32>
    %mul3A_76 = arith.mulf %mul3A_75, %add3A_70 : vector<16x128xf32>
    %select_n3A_77 = arith.select %ge3A_73, %add3A_70, %mul3A_76 : vector<16x128xi1>, vector<16x128xf32>
    %convert_element_type3A_78 = arith.truncf %select_n3A_77 : vector<16x128xf32> to vector<16x128xbf16>
    %get3A_79 = arith.constant 0 : index
    %get3A_80 = arith.constant 0 : index
    %get3A_81 = vector.load %arg9[%get3A_79, %get3A_80] : memref<128x64xbf16, #tpu.memory_space<vmem>>, vector<128x64xbf16>
    %dot_general3A_82 = arith.constant dense<0.000000e+00> : vector<16x64xf32>
    %dot_general3A_83 = tpu.matmul %convert_element_type3A_78, %get3A_81, %dot_general3A_82 {dimension_numbers = #tpu.dot_dimension_numbers<[1], [0], [0], [1], [0, 0, 1, 1], [], []>, transpose_lhs_hint = false} : vector<16x128xbf16>, vector<128x64xbf16>, vector<16x64xf32> -> vector<16x64xf32>
    %get3A_84 = arith.constant 0 : index
    %get3A_85 = arith.constant 0 : index
    %get3A_86 = vector.load %arg10[%get3A_84, %get3A_85] : memref<1x64xf32, #tpu.memory_space<vmem>>, vector<1x64xf32>
    %add3A_87 = vector.broadcast %get3A_86 : vector<1x64xf32> to vector<16x64xf32>
    %add3A_88 = arith.addf %dot_general3A_83, %add3A_87 : vector<16x64xf32>
    %reduce_sum3A_89 = arith.constant dense<0.000000e+00> : vector<64xf32>
    %reduce_sum3A_90 = vector.multi_reduction <add>, %add3A_88, %reduce_sum3A_89 [0] : vector<16x64xf32> to vector<64xf32>
    %broadcast_in_dim3A_91 = vector.shape_cast %reduce_sum3A_90 : vector<64xf32> to vector<1x64xf32>
    %div3A_92 = arith.constant 1.600000e+01 : f32
    %div3A_93 = vector.broadcast %div3A_92 : f32 to vector<1x64xf32>
    %div3A_94 = arith.divf %broadcast_in_dim3A_91, %div3A_93 : vector<1x64xf32>
    %sub3A_95 = vector.broadcast %div3A_94 : vector<1x64xf32> to vector<16x64xf32>
    %sub3A_96 = arith.subf %add3A_88, %sub3A_95 : vector<16x64xf32>
    %integer_pow3A_97 = arith.mulf %sub3A_96, %sub3A_96 : vector<16x64xf32>
    %reduce_sum3A_98 = arith.constant dense<0.000000e+00> : vector<64xf32>
    %reduce_sum3A_99 = vector.multi_reduction <add>, %integer_pow3A_97, %reduce_sum3A_98 [0] : vector<16x64xf32> to vector<64xf32>
    %broadcast_in_dim3A_100 = vector.shape_cast %reduce_sum3A_99 : vector<64xf32> to vector<1x64xf32>
    %div3A_101 = arith.constant 1.600000e+01 : f32
    %div3A_102 = vector.broadcast %div3A_101 : f32 to vector<1x64xf32>
    %div3A_103 = arith.divf %broadcast_in_dim3A_100, %div3A_102 : vector<1x64xf32>
    %sub3A_104 = vector.broadcast %div3A_94 : vector<1x64xf32> to vector<16x64xf32>
    %sub3A_105 = arith.subf %add3A_88, %sub3A_104 : vector<16x64xf32>
    %add3A_106 = arith.constant 9.99999974E-6 : f32
    %add3A_107 = vector.broadcast %add3A_106 : f32 to vector<1x64xf32>
    %add3A_108 = arith.addf %div3A_103, %add3A_107 : vector<1x64xf32>
    %rsqrt3A_109 = math.rsqrt %add3A_108 : vector<1x64xf32>
    %get3A_110 = arith.constant 0 : index
    %get3A_111 = arith.constant 0 : index
    %get3A_112 = vector.load %arg11[%get3A_110, %get3A_111] : memref<1x64xf32, #tpu.memory_space<vmem>>, vector<1x64xf32>
    %mul3A_113 = arith.mulf %rsqrt3A_109, %get3A_112 : vector<1x64xf32>
    %mul3A_114 = vector.broadcast %mul3A_113 : vector<1x64xf32> to vector<16x64xf32>
    %mul3A_115 = arith.mulf %sub3A_105, %mul3A_114 : vector<16x64xf32>
    %get3A_116 = arith.constant 0 : index
    %get3A_117 = arith.constant 0 : index
    %get3A_118 = vector.load %arg12[%get3A_116, %get3A_117] : memref<1x64xf32, #tpu.memory_space<vmem>>, vector<1x64xf32>
    %add3A_119 = vector.broadcast %get3A_118 : vector<1x64xf32> to vector<16x64xf32>
    %add3A_120 = arith.addf %mul3A_115, %add3A_119 : vector<16x64xf32>
    %ge3A_121 = arith.constant 0.000000e+00 : f32
    %ge3A_122 = vector.broadcast %ge3A_121 : f32 to vector<16x64xf32>
    %ge3A_123 = arith.cmpf oge, %add3A_120, %ge3A_122 : vector<16x64xf32>
    %mul3A_124 = arith.constant 2.000000e-01 : f32
    %mul3A_125 = vector.broadcast %mul3A_124 : f32 to vector<16x64xf32>
    %mul3A_126 = arith.mulf %mul3A_125, %add3A_120 : vector<16x64xf32>
    %select_n3A_127 = arith.select %ge3A_123, %add3A_120, %mul3A_126 : vector<16x64xi1>, vector<16x64xf32>
    %convert_element_type3A_128 = arith.truncf %select_n3A_127 : vector<16x64xf32> to vector<16x64xbf16>
    %convert_element_type3A_129 = arith.extf %convert_element_type3A_128 : vector<16x64xbf16> to vector<16x64xf32>
    %get3A_130 = arith.constant 0 : index
    %get3A_131 = arith.constant 0 : index
    %get3A_132 = vector.load %arg13[%get3A_130, %get3A_131] : memref<1x64xf32, #tpu.memory_space<vmem>>, vector<1x64xf32>
    %mul3A_133 = vector.broadcast %get3A_132 : vector<1x64xf32> to vector<16x64xf32>
    %mul3A_134 = arith.mulf %convert_element_type3A_129, %mul3A_133 : vector<16x64xf32>
    %reduce_sum3A_135 = arith.constant dense<0.000000e+00> : vector<16xf32>
    %reduce_sum3A_136 = vector.multi_reduction <add>, %mul3A_134, %reduce_sum3A_135 [1] : vector<16x64xf32> to vector<16xf32>
    %broadcast_in_dim3A_137 = vector.shape_cast %reduce_sum3A_136 : vector<16xf32> to vector<16x1xf32>
    %get3A_138 = arith.constant 0 : index
    %get3A_139 = arith.constant 0 : index
    %get3A_140 = vector.load %arg14[%get3A_138, %get3A_139] : memref<1x1xf32, #tpu.memory_space<vmem>>, vector<1x1xf32>
    %add3A_141 = vector.broadcast %get3A_140 : vector<1x1xf32> to vector<16x1xf32>
    %add3A_142 = arith.addf %broadcast_in_dim3A_137, %add3A_141 : vector<16x1xf32>
    %swap3A = arith.constant 0 : index
    %swap3A_143 = arith.constant 0 : index
    %swap3A_144 = vector.load %arg15[%swap3A, %swap3A_143] : memref<16x1xf32, #tpu.memory_space<vmem>>, vector<16x1xf32>
    tpu.vector_store %arg15[%swap3A, %swap3A_143], %add3A_142 {strides = array<i32>} : memref<16x1xf32, #tpu.memory_space<vmem>>, vector<16x1xf32>,
    return
  }
}

</mosaic_0001>

<sc_bundles>
// kernel: kernel.14.cloned.1.call-start
scs
__scs_entry_jumppad:
0x0: {  	(pc) =	sbr.rel $0x88, $3  }
0x1: {  	(tag) =	ssettag $0x0;
	lr =	simm.s32 $0x1  }
0x2: {  	[smem:$0x3F86] =	sst lr;
	_ =	strace $0xD0000000  }
0x3: {  	_ = 	snop  }
0x4: {  	_ = 	snop  }
0x5: {  	_ = 	snop  }
0x6: {  	_ = 	snop  }
0x7: {  	_ = 	snop  }
__scs_overlays_trampoline_lowered:
0x8: {  	[smem:$0x3F95] =	sst s0  }
0x9: {  	[smem:$0x3F96] =	sst s1  }
0xa: {  	[smem:$0x3F97] =	sst s2  }
0xb: {  	[smem:$0x3F98] =	sst s3  }
0xc: {  	[smem:$0x3F99] =	sst s4  }
0xd: {  	[smem:$0x3F9A] =	sst s5  }
0xe: {  	[smem:$0x3F9B] =	sst s6  }
0xf: {  	[smem:$0x3F9C] =	sst s7  }
0x10: {  	[smem:$0x3F9D] =	sst s8  }
0x11: {  	[smem:$0x3F9E] =	sst s9;
	s0 =	simm.s32 @!p0 $0x0  }
0x12: {  	s1 =	sld [smem:$0x3F84];
	s0 =	simm.s32 @p0 $0x1  }
0x13: {  	[smem:$0x3F9F] =	sst s0;
	s0 =	simm.s32 @!p1 $0x0  }
0x14: {  	s2 =	sld [smem:$0x3F83];
	s0 =	simm.s32 @p1 $0x1  }
0x15: {  	[smem:$0x3FA0] =	sst s0;
	s0 =	simm.s32 @!p2 $0x0  }
0x16: {  	s3 =	sld [smem:$0x3FDB];
	s0 =	simm.s32 @p2 $0x1  }
0x17: {  	s4 =	simm.s32 $0x1BF5;
	[smem:$0x3FA2] =	sst s0  }
0x18: {  	s0 =	sld [smem:$0x3F85];
	_ =	swait.ge [sflag:s4], $0x0  }
0x19: {  	s7 =	sld [smem:$0x3F86]  }
0x1a: {  	s8 =	sadd.s32 $0xFFFFE003, lr  }
0x1b: {  	s9 =	sadd.s32 $0xFFFFFEF7, lr;
	s5 =	simm.s32 $0xFFFFFFFF;
	p2 =	slt.u32 s8, $0xFFFFF086  }
0x1c: {  	p1 =	slt.u32 s9, $0xF7A;
	s5 =	simm.s32 @!p2 $0x0  }
0x1d: {  	s5 =	simm.s32 @p1 $0x1;
	p0 =	seq.s32 s7, s2  }
0x1e: {  	s7 =	smul.u32 @!p0 $0xF7A, s2;
	p2 =	seq.s32 @!p0 s5, $0x0  }
0x1f: {  	s9 =	smul.u32 $0xF7A, s1;
	s8 =	simm.s32 @!p0 $0x1BF5;
	p2 =	por !p2, p0  }
0x20: {  	[sflag:s8] =	ssyncset.s32 @!p0 $0xFFFFF086;
	s6 =	sadd.s32 @!p0 s3, s7;
	s7 =	simm.s32 @!p0 $0x108  }
0x21: {  	s3 =	sadd.s32 s3, s9;
	s6 =	sadd.s32 @!p0 $0x88, s6;
	s7 =	simm.s32 @p2 $0x1082  }
0x22: {  	[simem:s7], [sflag:s8] =	dma.local @!p0 [hbm:s6], $0xF7A  }
0x23: {  	s9 =	sor.u32 $0xD0000000, s2;
	s6 =	simm.s32 $0x108;
	_ =	swait.ge @!p0 [sflag:s8], $0x0  }
0x24: {  	s3 =	sadd.s32 $0x88, s3;
	s6 =	simm.s32 @!p1 $0x1082;
	[sflag:s4] =	ssyncset.s32 $0xFFFFF086  }
0x25: {  	[simem:s6], [sflag:s4] =	dma.local [hbm:s3], $0xF7A  }
0x26: {  	[smem:$0x3F86] =	sst s1;
	(tag) =	ssettag s2;
	_ =	strace s9  }
0x27: {  	s1 =	sld [smem:$0x3F96]  }
0x28: {  	s2 =	sld [smem:$0x3F97]  }
0x29: {  	s4 =	sld [smem:$0x3F99]  }
0x2a: {  	p0 =	seq.s32 s5, $0x0;
	s5 =	sld [smem:$0x3F9A]  }
0x2b: {  	s6 =	sld [smem:$0x3F9B]  }
0x2c: {  	s7 =	sld [smem:$0x3F9C]  }
0x2d: {  	s3 =	simm.s32 $0x108;
	s8 =	sld [smem:$0x3F9D]  }
0x2e: {  	s3 =	simm.s32 @!p0 $0x1082;
	s9 =	sld [smem:$0x3F9E]  }
0x2f: {  	lr =	sadd.s32 s0, s3;
	s0 =	sld [smem:$0x3F95]  }
0x30: {  	s3 =	sld [smem:$0x3F98]  }
0x31: {  	[smem:$0x3FA1] =	sst s10  }
0x32: {  	s10 =	sld [smem:$0x3F9F];
	_ =	sdelay $0x3  }
0x33: {  	p0 =	seq.s32 s10, $0x1;
	s10 =	sld [smem:$0x3FA1];
	_ =	sdelay $0x3  }
0x34: {  	[smem:$0x3FA1] =	sst s10  }
0x35: {  	s10 =	sld [smem:$0x3FA0];
	_ =	sdelay $0x3  }
0x36: {  	p1 =	seq.s32 s10, $0x1;
	s10 =	sld [smem:$0x3FA1];
	_ =	sdelay $0x3  }
0x37: {  	[smem:$0x3FA1] =	sst s10  }
0x38: {  	s10 =	sld [smem:$0x3FA2]  }
0x39: {  	_ = 	snop;
	(pc) =	sbr.ind lr, $3  }
0x3a: {  	_ = 	snop  }
0x3b: {  	_ = 	snop  }
0x3c: {  	p2 =	seq.s32 s10, $0x1;
	s10 =	sld [smem:$0x3FA1]  }
0x3d: {  	_ =	shalt  }
0x3e: {  	_ =	shalt  }
0x3f: {  	_ =	shalt  }
0x40: {  	_ =	shalt  }
0x41: {  	_ =	shalt  }
0x42: {  	_ =	shalt  }
0x43: {  	_ =	shalt  }
0x44: {  	_ =	shalt  }
0x45: {  	_ =	shalt  }
0x46: {  	_ =	shalt  }
0x47: {  	_ =	shalt  }
0x48: {  	_ =	shalt  }
0x49: {  	_ =	shalt  }
0x4a: {  	_ =	shalt  }
0x4b: {  	_ =	shalt  }
0x4c: {  	_ =	shalt  }
0x4d: {  	_ =	shalt  }
0x4e: {  	_ =	shalt  }
0x4f: {  	_ =	shalt  }
0x50: {  	_ =	shalt  }
0x51: {  	_ =	shalt  }
0x52: {  	_ =	shalt  }
0x53: {  	_ =	shalt  }
0x54: {  	_ =	shalt  }
0x55: {  	_ =	shalt  }
0x56: {  	_ =	shalt  }
0x57: {  	_ =	shalt  }
0x58: {  	_ =	shalt  }
0x59: {  	_ =	shalt  }
0x5a: {  	_ =	shalt  }
0x5b: {  	_ =	shalt  }
0x5c: {  	_ =	shalt  }
0x5d: {  	_ =	shalt  }
0x5e: {  	_ =	shalt  }
0x5f: {  	_ =	shalt  }
0x60: {  	_ =	shalt  }
0x61: {  	_ =	shalt  }
0x62: {  	_ =	shalt  }
0x63: {  	_ =	shalt  }
0x64: {  	_ =	shalt  }
0x65: {  	_ =	shalt  }
0x66: {  	_ =	shalt  }
0x67: {  	_ =	shalt  }
0x68: {  	_ =	shalt  }
0x69: {  	_ =	shalt  }
0x6a: {  	_ =	shalt  }
0x6b: {  	_ =	shalt  }
0x6c: {  	_ =	shalt  }
0x6d: {  	_ =	shalt  }
0x6e: {  	_ =	shalt  }
0x6f: {  	_ =	shalt  }
0x70: {  	_ =	shalt  }
0x71: {  	_ =	shalt  }
0x72: {  	_ =	shalt  }
0x73: {  	_ =	shalt  }
0x74: {  	_ =	shalt  }
0x75: {  	_ =	shalt  }
0x76: {  	_ =	shalt  }
0x77: {  	_ =	shalt  }
0x78: {  	_ =	shalt  }
0x79: {  	_ =	shalt  }
0x7a: {  	_ =	shalt  }
0x7b: {  	_ =	shalt  }
0x7c: {  	_ =	shalt  }
0x7d: {  	_ =	shalt  }
0x7e: {  	_ =	shalt  }
0x7f: {  	_ =	shalt  }
0x80: {  	_ =	shalt  }
0x81: {  	_ =	shalt  }
0x82: {  	_ =	shalt  }
0x83: {  	_ =	shalt  }
0x84: {  	_ =	shalt  }
0x85: {  	_ =	shalt  }
0x86: {  	_ =	shalt  }
0x87: {  	_ =	shalt  }
.Lfunc_end0:
.L_simem_size_0:
called_computation_lowered:
.L_overlay_start_0:
0x88: {  	s2 =	sld [smem:$0x3FD9]  }
0x89: {  	s3 =	sld [smem:$0x3FFE];
	_ =	sdelay $0x1  }
0x8a: {  	s1 =	srdreg.scid  }
0x8b: {  	s0 =	sand.u32 $0x1, s1  }
0x8c: {  	s16 =	sshll.u32 s0, $0xA;
	s2 =	sadd.s32 s3, s2  }
0x8d: {  	s2 =	sadd.s32 s2, s16  }
0x8e: {  	[smem:$0x3FAD] =	sst s2  }
0x8f: {  	_ = 	snop  }
0x90: {  	(tm) =	ssettm $0x1  }
0x91: {  	s17 =	sld [smem:$0x3FFB];
	_ =	sdelay $0x3  }
0x92: {  	_ =	strace s17  }
0x93: {  	s2 =	sld [smem:$0x3FFC];
	_ =	sdelay $0x3  }
0x94: {  	_ =	strace s2  }
0x95: {  	s2 =	sld [smem:$0x3FFD];
	_ =	sdelay $0x3  }
0x96: {  	_ =	strace s2  }
0x97: {  	_ =	strace $0x8FFFFFFF  }
0x98: {  	s18 =	sld [smem:$0x3FDB];
	_ =	sdelay $0x1  }
0x99: {  	s19 =	simm.s32 $_scs_section_size  }
0x9a: {  	s4 =	simm.s32 $_size__tile_overlayer_lowered;
	s5 =	simm.s32 $_tile_overlayer_lowered  }
0x9b: {  	s22 =	simm.s32 $0x1BFF;
	s21 =	sshll.u32 s5, $0x1;
	s2 =	sadd.s32 s19, s18  }
0x9c: {  	s6 =	simm.s32 $0x0;
	s20 =	sshll.u32 s4, $0x1;
	s4 =	sadd.s32 s21, s2  }
0x9d: {  	[timem:s6], [sflag:s22] =	dma.local [hbm:s4], s20  }
0x9e: {  	_ =	swait.ge [sflag:s22], s20  }
0x9f: {  	s3 =	ssub.s32 $0x0, s20;
	[sflag:s22] =	ssyncset.done $0x0  }
0xa0: {  	[sflag:s22] =	ssyncadd.s32 s3;
	_ =	sdelay $0x1  }
0xa1: {  	s23 =	simm.s32 $0x1B8B  }
0xa2: {  	_ =	swait.ge [sflag:s23], $0x1  }
0xa3: {  	[sflag:s23] =	ssyncset.done $0x0  }
0xa4: {  	s25 =	simm.s32 $0x1B8E;
	s24 =	sld [smem:$0x3FFE];
	[sflag:s23] =	ssyncadd.s32 $0xFFFFFFFF  }
0xa5: {  	s26 =	simm.s32 $execute0_lowered;
	[smem:$0x3FD2] =	sst s25  }
0xa6: {  	s4 =	sshll.u32 s26, $0x1;
	_ =	strace $0x80000046;
	[dreg:$0x1] =	wrdreg $0xFFFFFFFF  }
0xa7: {  	s28 =	simm.s32 $_size_execute0_lowered;
	s2 =	sadd.s32 s2, s4;
	[dreg:$0x0] =	wrdreg $0x0  }
0xa8: {  	s4 =	sshll.u32 s28, $0x1;
	[dreg:$0x2] =	wrdreg s2  }
0xa9: {  	[dreg:$0x3] =	wrdreg s4  }
0xaa: {  	[dreg:$0x4] =	wrdreg $0xC0  }
0xab: {  	_ =	task [dreg:s6], $0x5FFFF  }
0xac: {  	[dreg:$0x1] =	wrdreg $0xFFFFFFFF  }
0xad: {  	[dreg:$0x0] =	wrdreg $0x60  }
0xae: {  	[dreg:$0x2] =	wrdreg s24  }
0xaf: {  	[dreg:$0x3] =	wrdreg $0x9  }
0xb0: {  	_ =	task.clear_ibuf [dreg:s6], $0x4FFFF;
	_ =	strace $0x90000046  }
0xb1: {  	s29 =	simm.s32 $0x9;
	_ =	strace $0x80000048  }
0xb2: {  	_ =	swait.ge [sflag:s29], $0x1  }
0xb3: {  	[sflag:s29] =	ssyncadd.s32 $0xFFFFFFFF  }
0xb4: {  	_ =	strace $0x90000048  }
0xb5: {  	_ =	sfence  }
0xb6: {  	s30 =	sld [smem:$0x0];
	_ =	sdelay $0x2  }
0xb7: {  	s31 =	sshll.u32 s1, $0xD;
	s1 =	sshrl.u32 s1, $0x2  }
0xb8: {  	s3 =	sand.u32 $0x4000, s31;
	s1 =	sadd.s32 s1, s30  }
0xb9: {  	s0 =	sor.u32 s3, s0;
	s1 =	sshll.u32 s1, $0x11  }
0xba: {  	s0 =	sor.u32 s1, s0  }
0xbb: {  	s0 =	sadd.s32 $0x8F2B, s0  }
0xbc: {  	[sflag:s0] =	ssyncadd.remote.s32 $0x1  }
0xbd: {  	_ =	sfence.sel $0xFFFF  }
0xbe: {  	[dreg:$0x0] =	wrdreg $0xFFFFFFFF;
	(pc) =	sbr.abs _section_cstart, $3  }
0xbf: {  	[dreg:$0x1] =	wrdreg $0xFFFFFFFF  }
0xc0: {  	_ =	task.clear_ibuf [dreg:s6], $0x2FFFF;
	_ =	strace $0x9FFFFFFF  }
0xc1: {  	(tm) =	ssettm $0x7FFFFFFF  }
tec
execute0_lowered:
.L_overlay_start_1:
0x0: {  	(tag) =	ssettag $0x1  }
0x1: {  	s4 =	rddreg [dreg:$0x0]  }
0x2: {  	s0 =	rddreg [dreg:$0x1]  }
0x3: {  	s3 =	srdreg.scid;
	s2 =	simm.s32 $0x0;
	s1 =	stileid.u32  }
0x4: {  	s12 =	simm.s32 $0x80;
	s13 =	simm.s32 $0x4000;
	s14 =	simm.s32 $0x4800  }
0x5: {  	s15 =	simm.s32 $0x1;
	s16 =	simm.s32 $0x3;
	s17 =	simm.s32 $0x100  }
0x6: {  	s18 =	simm.s32 $0x2;
	s19 =	simm.s32 $0x4;
	s20 =	simm.s32 $0x3F80  }
0x7: {  	s21 =	simm.s32 $0x0;
	s8 =	sand.u32 $0x1, s3;
	[smem:$0x7FF] =	sst s2  }
0x8: {  	s30 =	sshll.u32 s1, $0xF;
	s3 =	sadd.s32 $0x95A00, s4;
	s9 =	sadd.s32 $0xA5A00, s4  }
0x9: {  	s10 =	sshll.u32 s1, $0x10;
	s5 =	sshll.u32 s8, $0xE;
	_ =	strace $0x80000047  }
0xa: {  	s7 =	ssub.s32 $0x2, s8;
	s10 =	sadd.s32 s10, s9;
	s11 =	sshll.u32 s8, $0xF  }
0xb: {  	s5 =	sor.u32 s5, s30;
	s31 =	sshrl.u32 s7, $0x1;
	s10 =	sadd.s32 s11, s10  }
0xc: {  	s11 =	simm.s32 $0x5;
	s6 =	sshrl.u32 s5, $0x3;
	s7 =	ssub.s32 s7, s31  }
0xd: {  	s5 =	sshll.u32 s5, $0x1;
	s10 =	sadd.s32 $0x200, s10;
	s6 =	sadd.s32 s6, s4  }
0xe: {  	s5 =	sadd.s32 s9, s5;
	s4 =	sadd.s32 $0x85A00, s6;
	s6 =	smax.u32 s7, $0x1  }
0xf: {  	s7 =	sadd.s32 $0x100, s5;
	s8 =	sadd.s32 $0x7E00, s5;
	s9 =	sadd.s32 $0x7F00, s5  }
.LBB2_1:
0x10: {  	[tilespmem:s2], [sflag:$0x5] =	stream.linear.gather [hbm4b:s4+s2], $0x4000, $0x38;
	[tilespmem:$0x5000] =	vst v63  }
0x11: {  	_ =	swait.ge [sflag:s11], $0x4000  }
0x12: {  	[sflag:s11] =	ssyncset.done $0x0  }
0x13: {  	[sflag:s11] =	ssyncadd.s32 $0xFFFFC000  }
0x14: {  	[tilespmem:s13], [sflag:$0x1] =	stream.indirect.gather [hbm4b:s3+s12], $0x10, s2, s12, $0xb8;
	[tilespmem:$0x5000] =	vst v63  }
0x15: {  	_ = 	snop  }
0x16: {  	[tilespmem:s14], [sflag:$0x2] =	stream.indirect.gather [hbm4b:s3+s12], $0x10, s12, s12, $0xb8;
	[tilespmem:$0x5000] =	vst v63  }
0x17: {  	_ =	swait.ge [sflag:s15], $0x800  }
0x18: {  	[sflag:s15] =	ssyncset.done $0x0  }
0x19: {  	[sflag:s15] =	ssyncadd.s32 $0xFFFFF800  }
0x1a: {  	[hbm4b:s5+s2] =	stream.linear.scatter [tilespmem:s13], [sflag:$0x3], $0x800, $0x38;
	[tilespmem:$0x5000] =	vst v63  }
0x1b: {  	_ =	swait.ge [sflag:s16], $0x800  }
0x1c: {  	[sflag:s16] =	ssyncset.done $0x0  }
0x1d: {  	[sflag:s16] =	ssyncadd.s32 $0xFFFFF800  }
0x1e: {  	[tilespmem:s13], [sflag:$0x1] =	stream.indirect.gather [hbm4b:s3+s12], $0x10, s17, s12, $0xb8;
	[tilespmem:$0x5000] =	vst v63  }
0x1f: {  	_ =	swait.ge [sflag:s18], $0x800  }
0x20: {  	[sflag:s18] =	ssyncset.done $0x0  }
0x21: {  	[sflag:s18] =	ssyncadd.s32 $0xFFFFF800  }
0x22: {  	[hbm4b:s7+s2] =	stream.linear.scatter [tilespmem:s14], [sflag:$0x4], $0x800, $0x38;
	[tilespmem:$0x5000] =	vst v63  }
0x23: {  	_ =	swait.ge [sflag:s19], $0x800  }
0x24: {  	[sflag:s19] =	ssyncset.done $0x0  }
0x25: {  	s22 =	simm.s32 $0x180;
	[sflag:s19] =	ssyncadd.s32 $0xFFFFF800  }
0x26: {  	[tilespmem:s14], [sflag:$0x2] =	stream.indirect.gather [hbm4b:s3+s12], $0x10, s22, s12, $0xb8;
	[tilespmem:$0x5000] =	vst v63  }
0x27: {  	_ =	swait.ge [sflag:s15], $0x800  }
0x28: {  	[sflag:s15] =	ssyncset.done $0x0  }
0x29: {  	[sflag:s15] =	ssyncadd.s32 $0xFFFFF800  }
0x2a: {  	[hbm4b:s10+s2] =	stream.linear.scatter [tilespmem:s13], [sflag:$0x3], $0x800, $0x38;
	[tilespmem:$0x5000] =	vst v63  }
0x2b: {  	_ =	swait.ge [sflag:s16], $0x800  }
0x2c: {  	[sflag:s16] =	ssyncset.done $0x0  }
0x2d: {  	s31 =	simm.s32 $0x200;
	[sflag:s16] =	ssyncadd.s32 $0xFFFFF800  }
0x2e: {  	[tilespmem:s13], [sflag:$0x1] =	stream.indirect.gather [hbm4b:s3+s12], $0x10, s31, s12, $0xb8;
	[tilespmem:$0x5000] =	vst v63  }
0x2f: {  	_ =	swait.ge [sflag:s18], $0x800  }
0x30: {  	s24 =	sadd.s32 $0x100, s10;
	[sflag:s18] =	ssyncset.done $0x0  }
0x31: {  	s23 =	sadd.s32 $0x200, s10;
	s22 =	simm.s32 $0x400;
	[sflag:s18] =	ssyncadd.s32 $0xFFFFF800  }
.LBB2_2:
0x32: {  	[hbm4b:s24+s2] =	stream.linear.scatter [tilespmem:s14], [sflag:$0x4], $0x800, $0x38;
	[tilespmem:$0x5000] =	vst v63  }
0x33: {  	s24 =	smov.u32 s22  }
0x34: {  	p0 =	sne.s32 s22, $0xF400;
	s22 =	sadd.s32 $0x400, s22;
	_ =	swait.ge [sflag:s19], $0x800  }
0x35: {  	s24 =	sshra.s32 s24, $0x2;
	[sflag:s19] =	ssyncset.done $0x0  }
0x36: {  	s25 =	sadd.s32 $0x180, s24;
	[sflag:s19] =	ssyncadd.s32 $0xFFFFF800  }
0x37: {  	[tilespmem:s14], [sflag:$0x2] =	stream.indirect.gather [hbm4b:s3+s12], $0x10, s25, s12, $0xb8;
	[tilespmem:$0x5000] =	vst v63  }
0x38: {  	_ =	swait.ge [sflag:s15], $0x800  }
0x39: {  	[sflag:s15] =	ssyncset.done $0x0  }
0x3a: {  	[sflag:s15] =	ssyncadd.s32 $0xFFFFF800  }
0x3b: {  	[hbm4b:s23+s2] =	stream.linear.scatter [tilespmem:s13], [sflag:$0x3], $0x800, $0x38;
	[tilespmem:$0x5000] =	vst v63  }
0x3c: {  	_ =	swait.ge [sflag:s16], $0x800  }
0x3d: {  	[sflag:s16] =	ssyncset.done $0x0  }
.Ltmp0:
0x3e: {  	s24 =	sadd.s32 $0x200, s24;
	[sflag:s16] =	ssyncadd.s32 $0xFFFFF800;
	(pc) =	sbr.rel @p0 .LBB2_2-.Ltmp0, $4  }
0x3f: {  	[tilespmem:s13], [sflag:$0x1] =	stream.indirect.gather [hbm4b:s3+s12], $0x10, s24, s12, $0xb8;
	[tilespmem:$0x5000] =	vst v63  }
0x40: {  	_ =	swait.ge [sflag:s18], $0x800  }
0x41: {  	[sflag:s18] =	ssyncset.done $0x0  }
0x42: {  	s24 =	sadd.s32 $0x100, s23;
	s23 =	sadd.s32 $0x200, s23;
	[sflag:s18] =	ssyncadd.s32 $0xFFFFF800  }
0x43: {  	[hbm4b:s24+s2] =	stream.linear.scatter [tilespmem:s14], [sflag:$0x4], $0x800, $0x38;
	[tilespmem:$0x5000] =	vst v63  }
0x44: {  	_ =	swait.ge [sflag:s19], $0x800  }
0x45: {  	[sflag:s19] =	ssyncset.done $0x0  }
0x46: {  	[sflag:s19] =	ssyncadd.s32 $0xFFFFF800  }
0x47: {  	[tilespmem:s14], [sflag:$0x2] =	stream.indirect.gather [hbm4b:s3+s12], $0x10, s20, s12, $0xb8;
	[tilespmem:$0x5000] =	vst v63  }
0x48: {  	_ =	swait.ge [sflag:s15], $0x800  }
0x49: {  	[sflag:s15] =	ssyncset.done $0x0  }
0x4a: {  	[sflag:s15] =	ssyncadd.s32 $0xFFFFF800  }
0x4b: {  	[hbm4b:s8+s2] =	stream.linear.scatter [tilespmem:s13], [sflag:$0x3], $0x800, $0x38;
	[tilespmem:$0x5000] =	vst v63  }
0x4c: {  	_ =	swait.ge [sflag:s16], $0x800  }
0x4d: {  	[sflag:s16] =	ssyncset.done $0x0  }
0x4e: {  	[sflag:s16] =	ssyncadd.s32 $0xFFFFF800  }
0x4f: {  	s21 =	sadd.s32 $0x1, s21;
	_ =	swait.ge [sflag:s18], $0x800  }
0x50: {  	p0 =	sne.s32 s21, s6;
	[sflag:s18] =	ssyncset.done $0x0  }
.Ltmp1:
0x51: {  	[sflag:s18] =	ssyncadd.s32 $0xFFFFF800;
	(pc) =	sbr.rel @p0 .LBB2_1-.Ltmp1, $4  }
0x52: {  	[hbm4b:s9+s2] =	stream.linear.scatter [tilespmem:s14], [sflag:$0x4], $0x800, $0x38;
	[tilespmem:$0x5000] =	vst v63  }
0x53: {  	_ =	swait.ge [sflag:s19], $0x800  }
0x54: {  	[sflag:s19] =	ssyncset.done $0x0  }
0x55: {  	[sflag:s19] =	ssyncadd.s32 $0xFFFFF800  }
0x56: {  	_ =	sfence.sel $0x180000  }
0x57: {  	[bflag:$0x0] =	sbarrier.arrive $0xFFFF  }
0x58: {  	p0 =	sne.s32 s1, $0x0;
	_ =	strace $0x90000047  }
0x59: {  	s0 =	sadd.s32 @!p0 $0x100000, s0;
	[bflag:$0x2] =	sbarrier.arrive $0xFFFF  }
0x5a: {  	[sflag:s0] =	ssyncadd.tile.s32 @!p0 $0x1;
	_ =	shalt  }
.Lfunc_end2:
_tile_overlayer_lowered:
.L_overlay_start_2:
0x5b: {  	(tag) =	ssettag $0x2  }
0x5c: {  	s0 =	rddreg [dreg:$0x0];
	s2 =	stileid.u32  }
0x5d: {  	s1 =	rddreg [dreg:$0x1];
	p0 =	sne.s32 s2, $0x0  }
0x5e: {  	s3 =	rddreg [dreg:$0x2];
	[bflag:$0x3] =	sbarrier.arrive $0xFFFF;
	s2 =	simm.s32 @!p0 $0x1C05  }
0x5f: {  	[timem:s3], [sflag:s2] =	dma.local @!p0 [hbm:s0], s1  }
0x60: {  	s0 =	simm.s32 @!p0 $0x5  }
0x61: {  	_ =	swait.ge @!p0 [sflag:s0], s1  }
0x62: {  	s1 =	ssub.s32 @!p0 $0x0, s1;
	[sflag:s0] =	ssyncset.done @!p0 $0x0  }
0x63: {  	[sflag:s0] =	ssyncadd.s32 @!p0 s1  }
0x64: {  	[bflag:$0x3] =	sbarrier.arrive $0xFFFF  }
0x65: {  	_ =	shalt  }

// kernel: kernel.17.cloned.1.call-start
scs
__scs_entry_jumppad:
0x0: {  	(pc) =	sbr.rel $0x88, $3  }
0x1: {  	(tag) =	ssettag $0x0;
	lr =	simm.s32 $0x1  }
0x2: {  	[smem:$0x3F86] =	sst lr;
	_ =	strace $0xD0000000  }
0x3: {  	_ = 	snop  }
0x4: {  	_ = 	snop  }
0x5: {  	_ = 	snop  }
0x6: {  	_ = 	snop  }
0x7: {  	_ = 	snop  }
__scs_overlays_trampoline_lowered:
0x8: {  	[smem:$0x3F95] =	sst s0  }
0x9: {  	[smem:$0x3F96] =	sst s1  }
0xa: {  	[smem:$0x3F97] =	sst s2  }
0xb: {  	[smem:$0x3F98] =	sst s3  }
0xc: {  	[smem:$0x3F99] =	sst s4  }
0xd: {  	[smem:$0x3F9A] =	sst s5  }
0xe: {  	[smem:$0x3F9B] =	sst s6  }
0xf: {  	[smem:$0x3F9C] =	sst s7  }
0x10: {  	[smem:$0x3F9D] =	sst s8  }
0x11: {  	[smem:$0x3F9E] =	sst s9;
	s0 =	simm.s32 @!p0 $0x0  }
0x12: {  	s1 =	sld [smem:$0x3F84];
	s0 =	simm.s32 @p0 $0x1  }
0x13: {  	[smem:$0x3F9F] =	sst s0;
	s0 =	simm.s32 @!p1 $0x0  }
0x14: {  	s2 =	sld [smem:$0x3F83];
	s0 =	simm.s32 @p1 $0x1  }
0x15: {  	[smem:$0x3FA0] =	sst s0;
	s0 =	simm.s32 @!p2 $0x0  }
0x16: {  	s3 =	sld [smem:$0x3FDB];
	s0 =	simm.s32 @p2 $0x1  }
0x17: {  	s4 =	simm.s32 $0x1BF5;
	[smem:$0x3FA2] =	sst s0  }
0x18: {  	s0 =	sld [smem:$0x3F85];
	_ =	swait.ge [sflag:s4], $0x0  }
0x19: {  	s7 =	sld [smem:$0x3F86]  }
0x1a: {  	s8 =	sadd.s32 $0xFFFFE003, lr  }
0x1b: {  	s9 =	sadd.s32 $0xFFFFFEF7, lr;
	s5 =	simm.s32 $0xFFFFFFFF;
	p2 =	slt.u32 s8, $0xFFFFF086  }
0x1c: {  	p1 =	slt.u32 s9, $0xF7A;
	s5 =	simm.s32 @!p2 $0x0  }
0x1d: {  	s5 =	simm.s32 @p1 $0x1;
	p0 =	seq.s32 s7, s2  }
0x1e: {  	s7 =	smul.u32 @!p0 $0xF7A, s2;
	p2 =	seq.s32 @!p0 s5, $0x0  }
0x1f: {  	s9 =	smul.u32 $0xF7A, s1;
	s8 =	simm.s32 @!p0 $0x1BF5;
	p2 =	por !p2, p0  }
0x20: {  	[sflag:s8] =	ssyncset.s32 @!p0 $0xFFFFF086;
	s6 =	sadd.s32 @!p0 s3, s7;
	s7 =	simm.s32 @!p0 $0x108  }
0x21: {  	s3 =	sadd.s32 s3, s9;
	s6 =	sadd.s32 @!p0 $0x88, s6;
	s7 =	simm.s32 @p2 $0x1082  }
0x22: {  	[simem:s7], [sflag:s8] =	dma.local @!p0 [hbm:s6], $0xF7A  }
0x23: {  	s9 =	sor.u32 $0xD0000000, s2;
	s6 =	simm.s32 $0x108;
	_ =	swait.ge @!p0 [sflag:s8], $0x0  }
0x24: {  	s3 =	sadd.s32 $0x88, s3;
	s6 =	simm.s32 @!p1 $0x1082;
	[sflag:s4] =	ssyncset.s32 $0xFFFFF086  }
0x25: {  	[simem:s6], [sflag:s4] =	dma.local [hbm:s3], $0xF7A  }
0x26: {  	[smem:$0x3F86] =	sst s1;
	(tag) =	ssettag s2;
	_ =	strace s9  }
0x27: {  	s1 =	sld [smem:$0x3F96]  }
0x28: {  	s2 =	sld [smem:$0x3F97]  }
0x29: {  	s4 =	sld [smem:$0x3F99]  }
0x2a: {  	p0 =	seq.s32 s5, $0x0;
	s5 =	sld [smem:$0x3F9A]  }
0x2b: {  	s6 =	sld [smem:$0x3F9B]  }
0x2c: {  	s7 =	sld [smem:$0x3F9C]  }
0x2d: {  	s3 =	simm.s32 $0x108;
	s8 =	sld [smem:$0x3F9D]  }
0x2e: {  	s3 =	simm.s32 @!p0 $0x1082;
	s9 =	sld [smem:$0x3F9E]  }
0x2f: {  	lr =	sadd.s32 s0, s3;
	s0 =	sld [smem:$0x3F95]  }
0x30: {  	s3 =	sld [smem:$0x3F98]  }
0x31: {  	[smem:$0x3FA1] =	sst s10  }
0x32: {  	s10 =	sld [smem:$0x3F9F];
	_ =	sdelay $0x3  }
0x33: {  	p0 =	seq.s32 s10, $0x1;
	s10 =	sld [smem:$0x3FA1];
	_ =	sdelay $0x3  }
0x34: {  	[smem:$0x3FA1] =	sst s10  }
0x35: {  	s10 =	sld [smem:$0x3FA0];
	_ =	sdelay $0x3  }
0x36: {  	p1 =	seq.s32 s10, $0x1;
	s10 =	sld [smem:$0x3FA1];
	_ =	sdelay $0x3  }
0x37: {  	[smem:$0x3FA1] =	sst s10  }
0x38: {  	s10 =	sld [smem:$0x3FA2]  }
0x39: {  	_ = 	snop;
	(pc) =	sbr.ind lr, $3  }
0x3a: {  	_ = 	snop  }
0x3b: {  	_ = 	snop  }
0x3c: {  	p2 =	seq.s32 s10, $0x1;
	s10 =	sld [smem:$0x3FA1]  }
0x3d: {  	_ =	shalt  }
0x3e: {  	_ =	shalt  }
0x3f: {  	_ =	shalt  }
0x40: {  	_ =	shalt  }
0x41: {  	_ =	shalt  }
0x42: {  	_ =	shalt  }
0x43: {  	_ =	shalt  }
0x44: {  	_ =	shalt  }
0x45: {  	_ =	shalt  }
0x46: {  	_ =	shalt  }
0x47: {  	_ =	shalt  }
0x48: {  	_ =	shalt  }
0x49: {  	_ =	shalt  }
0x4a: {  	_ =	shalt  }
0x4b: {  	_ =	shalt  }
0x4c: {  	_ =	shalt  }
0x4d: {  	_ =	shalt  }
0x4e: {  	_ =	shalt  }
0x4f: {  	_ =	shalt  }
0x50: {  	_ =	shalt  }
0x51: {  	_ =	shalt  }
0x52: {  	_ =	shalt  }
0x53: {  	_ =	shalt  }
0x54: {  	_ =	shalt  }
0x55: {  	_ =	shalt  }
0x56: {  	_ =	shalt  }
0x57: {  	_ =	shalt  }
0x58: {  	_ =	shalt  }
0x59: {  	_ =	shalt  }
0x5a: {  	_ =	shalt  }
0x5b: {  	_ =	shalt  }
0x5c: {  	_ =	shalt  }
0x5d: {  	_ =	shalt  }
0x5e: {  	_ =	shalt  }
0x5f: {  	_ =	shalt  }
0x60: {  	_ =	shalt  }
0x61: {  	_ =	shalt  }
0x62: {  	_ =	shalt  }
0x63: {  	_ =	shalt  }
0x64: {  	_ =	shalt  }
0x65: {  	_ =	shalt  }
0x66: {  	_ =	shalt  }
0x67: {  	_ =	shalt  }
0x68: {  	_ =	shalt  }
0x69: {  	_ =	shalt  }
0x6a: {  	_ =	shalt  }
0x6b: {  	_ =	shalt  }
0x6c: {  	_ =	shalt  }
0x6d: {  	_ =	shalt  }
0x6e: {  	_ =	shalt  }
0x6f: {  	_ =	shalt  }
0x70: {  	_ =	shalt  }
0x71: {  	_ =	shalt  }
0x72: {  	_ =	shalt  }
0x73: {  	_ =	shalt  }
0x74: {  	_ =	shalt  }
0x75: {  	_ =	shalt  }
0x76: {  	_ =	shalt  }
0x77: {  	_ =	shalt  }
0x78: {  	_ =	shalt  }
0x79: {  	_ =	shalt  }
0x7a: {  	_ =	shalt  }
0x7b: {  	_ =	shalt  }
0x7c: {  	_ =	shalt  }
0x7d: {  	_ =	shalt  }
0x7e: {  	_ =	shalt  }
0x7f: {  	_ =	shalt  }
0x80: {  	_ =	shalt  }
0x81: {  	_ =	shalt  }
0x82: {  	_ =	shalt  }
0x83: {  	_ =	shalt  }
0x84: {  	_ =	shalt  }
0x85: {  	_ =	shalt  }
0x86: {  	_ =	shalt  }
0x87: {  	_ =	shalt  }
.Lfunc_end0:
.L_simem_size_0:
called_computation.1_lowered:
.L_overlay_start_0:
0x88: {  	s2 =	sld [smem:$0x3FD9]  }
0x89: {  	s3 =	sld [smem:$0x3FFE];
	_ =	sdelay $0x1  }
0x8a: {  	s1 =	srdreg.scid  }
0x8b: {  	s0 =	sand.u32 $0x1, s1  }
0x8c: {  	s16 =	sshll.u32 s0, $0xA;
	s2 =	sadd.s32 s3, s2  }
0x8d: {  	s2 =	sadd.s32 s2, s16  }
0x8e: {  	[smem:$0x3FAD] =	sst s2  }
0x8f: {  	_ = 	snop  }
0x90: {  	(tm) =	ssettm $0x1  }
0x91: {  	s17 =	sld [smem:$0x3FFB];
	_ =	sdelay $0x3  }
0x92: {  	_ =	strace s17  }
0x93: {  	s2 =	sld [smem:$0x3FFC];
	_ =	sdelay $0x3  }
0x94: {  	_ =	strace s2  }
0x95: {  	s2 =	sld [smem:$0x3FFD];
	_ =	sdelay $0x3  }
0x96: {  	_ =	strace s2  }
0x97: {  	_ =	strace $0x8FFFFFFF  }
0x98: {  	s18 =	sld [smem:$0x3FDB];
	_ =	sdelay $0x1  }
0x99: {  	s19 =	simm.s32 $_scs_section_size  }
0x9a: {  	s4 =	simm.s32 $_size__tile_overlayer_lowered;
	s5 =	simm.s32 $_tile_overlayer_lowered  }
0x9b: {  	s22 =	simm.s32 $0x1BFF;
	s21 =	sshll.u32 s5, $0x1;
	s2 =	sadd.s32 s19, s18  }
0x9c: {  	s6 =	simm.s32 $0x0;
	s20 =	sshll.u32 s4, $0x1;
	s4 =	sadd.s32 s21, s2  }
0x9d: {  	[timem:s6], [sflag:s22] =	dma.local [hbm:s4], s20  }
0x9e: {  	_ =	swait.ge [sflag:s22], s20  }
0x9f: {  	s3 =	ssub.s32 $0x0, s20;
	[sflag:s22] =	ssyncset.done $0x0  }
0xa0: {  	[sflag:s22] =	ssyncadd.s32 s3;
	_ =	sdelay $0x1  }
0xa1: {  	s23 =	simm.s32 $0x1B8B  }
0xa2: {  	_ =	swait.ge [sflag:s23], $0x1  }
0xa3: {  	[sflag:s23] =	ssyncset.done $0x0  }
0xa4: {  	s25 =	simm.s32 $0x1B8E;
	s24 =	sld [smem:$0x3FFE];
	[sflag:s23] =	ssyncadd.s32 $0xFFFFFFFF  }
0xa5: {  	s26 =	simm.s32 $execute0_lowered;
	[smem:$0x3FD2] =	sst s25  }
0xa6: {  	s4 =	sshll.u32 s26, $0x1;
	_ =	strace $0x80000049;
	[dreg:$0x1] =	wrdreg $0xFFFFFFFF  }
0xa7: {  	s28 =	simm.s32 $_size_execute0_lowered;
	s2 =	sadd.s32 s2, s4;
	[dreg:$0x0] =	wrdreg $0x0  }
0xa8: {  	s4 =	sshll.u32 s28, $0x1;
	[dreg:$0x2] =	wrdreg s2  }
0xa9: {  	[dreg:$0x3] =	wrdreg s4  }
0xaa: {  	[dreg:$0x4] =	wrdreg $0xC0  }
0xab: {  	_ =	task [dreg:s6], $0x5FFFF  }
0xac: {  	[dreg:$0x1] =	wrdreg $0xFFFFFFFF  }
0xad: {  	[dreg:$0x0] =	wrdreg $0x60  }
0xae: {  	[dreg:$0x2] =	wrdreg s24  }
0xaf: {  	[dreg:$0x3] =	wrdreg $0x9  }
0xb0: {  	_ =	task.clear_ibuf [dreg:s6], $0x4FFFF;
	_ =	strace $0x90000049  }
0xb1: {  	s29 =	simm.s32 $0x9;
	_ =	strace $0x8000004B  }
0xb2: {  	_ =	swait.ge [sflag:s29], $0x1  }
0xb3: {  	[sflag:s29] =	ssyncadd.s32 $0xFFFFFFFF  }
0xb4: {  	_ =	strace $0x9000004B  }
0xb5: {  	_ =	sfence  }
0xb6: {  	s30 =	sld [smem:$0x0];
	_ =	sdelay $0x2  }
0xb7: {  	s31 =	sshll.u32 s1, $0xD;
	s1 =	sshrl.u32 s1, $0x2  }
0xb8: {  	s3 =	sand.u32 $0x4000, s31;
	s1 =	sadd.s32 s1, s30  }
0xb9: {  	s0 =	sor.u32 s3, s0;
	s1 =	sshll.u32 s1, $0x11  }
0xba: {  	s0 =	sor.u32 s1, s0  }
0xbb: {  	s0 =	sadd.s32 $0x8F2B, s0  }
0xbc: {  	[sflag:s0] =	ssyncadd.remote.s32 $0x1  }
0xbd: {  	_ =	sfence.sel $0xFFFF  }
0xbe: {  	[dreg:$0x0] =	wrdreg $0xFFFFFFFF;
	(pc) =	sbr.abs _section_cstart, $3  }
0xbf: {  	[dreg:$0x1] =	wrdreg $0xFFFFFFFF  }
0xc0: {  	_ =	task.clear_ibuf [dreg:s6], $0x2FFFF;
	_ =	strace $0x9FFFFFFF  }
0xc1: {  	(tm) =	ssettm $0x7FFFFFFF  }
tec
execute0_lowered:
.L_overlay_start_1:
0x0: {  	(tag) =	ssettag $0x1  }
0x1: {  	s4 =	rddreg [dreg:$0x0]  }
0x2: {  	s0 =	rddreg [dreg:$0x1]  }
0x3: {  	s3 =	srdreg.scid;
	s2 =	simm.s32 $0x0;
	s1 =	stileid.u32  }
0x4: {  	s12 =	simm.s32 $0x80;
	s13 =	simm.s32 $0x4000;
	s14 =	simm.s32 $0x6000  }
0x5: {  	s15 =	simm.s32 $0x1;
	s16 =	simm.s32 $0x3;
	s17 =	simm.s32 $0x100  }
0x6: {  	s18 =	simm.s32 $0x2;
	s19 =	simm.s32 $0x4;
	s20 =	simm.s32 $0x3F80  }
0x7: {  	s21 =	simm.s32 $0x0;
	s8 =	sand.u32 $0x1, s3;
	[smem:$0x7FF] =	sst s2  }
0x8: {  	s30 =	sshll.u32 s1, $0xF;
	s3 =	sadd.s32 $0x95A00, s4;
	s9 =	sadd.s32 $0xD5A00, s4  }
0x9: {  	s10 =	sshll.u32 s1, $0x12;
	s5 =	sshll.u32 s8, $0xE;
	_ =	strace $0x8000004A  }
0xa: {  	s7 =	ssub.s32 $0x2, s8;
	s10 =	sadd.s32 s10, s9;
	s11 =	sshll.u32 s8, $0x11  }
0xb: {  	s5 =	sor.u32 s5, s30;
	s31 =	sshrl.u32 s7, $0x1;
	s10 =	sadd.s32 s11, s10  }
0xc: {  	s11 =	simm.s32 $0x5;
	s6 =	sshrl.u32 s5, $0x3;
	s7 =	ssub.s32 s7, s31  }
0xd: {  	s5 =	sshll.u32 s5, $0x3;
	s10 =	sadd.s32 $0x800, s10;
	s6 =	sadd.s32 s6, s4  }
0xe: {  	s5 =	sadd.s32 s9, s5;
	s4 =	sadd.s32 $0x85A00, s6;
	s6 =	smax.u32 s7, $0x1  }
0xf: {  	s7 =	sadd.s32 $0x400, s5;
	s8 =	sadd.s32 $0x1F800, s5;
	s9 =	sadd.s32 $0x1FC00, s5  }
.LBB2_1:
0x10: {  	[tilespmem:s2], [sflag:$0x5] =	stream.linear.gather [hbm4b:s4+s2], $0x4000, $0x38;
	[tilespmem:$0x8000] =	vst v63  }
0x11: {  	_ =	swait.ge [sflag:s11], $0x4000  }
0x12: {  	[sflag:s11] =	ssyncset.done $0x0  }
0x13: {  	[sflag:s11] =	ssyncadd.s32 $0xFFFFC000  }
0x14: {  	[tilespmem:s13], [sflag:$0x1] =	stream.indirect.gather [hbm4b:s3+s12], $0x40, s2, s12, $0xb8;
	[tilespmem:$0x8000] =	vst v63  }
0x15: {  	_ = 	snop  }
0x16: {  	[tilespmem:s14], [sflag:$0x2] =	stream.indirect.gather [hbm4b:s3+s12], $0x40, s12, s12, $0xb8;
	[tilespmem:$0x8000] =	vst v63  }
0x17: {  	_ =	swait.ge [sflag:s15], $0x2000  }
0x18: {  	[sflag:s15] =	ssyncset.done $0x0  }
0x19: {  	[sflag:s15] =	ssyncadd.s32 $0xFFFFE000  }
0x1a: {  	[hbm4b:s5+s2] =	stream.linear.scatter [tilespmem:s13], [sflag:$0x3], $0x2000, $0x38;
	[tilespmem:$0x8000] =	vst v63  }
0x1b: {  	_ =	swait.ge [sflag:s16], $0x2000  }
0x1c: {  	[sflag:s16] =	ssyncset.done $0x0  }
0x1d: {  	[sflag:s16] =	ssyncadd.s32 $0xFFFFE000  }
0x1e: {  	[tilespmem:s13], [sflag:$0x1] =	stream.indirect.gather [hbm4b:s3+s12], $0x40, s17, s12, $0xb8;
	[tilespmem:$0x8000] =	vst v63  }
0x1f: {  	_ =	swait.ge [sflag:s18], $0x2000  }
0x20: {  	[sflag:s18] =	ssyncset.done $0x0  }
0x21: {  	[sflag:s18] =	ssyncadd.s32 $0xFFFFE000  }
0x22: {  	[hbm4b:s7+s2] =	stream.linear.scatter [tilespmem:s14], [sflag:$0x4], $0x2000, $0x38;
	[tilespmem:$0x8000] =	vst v63  }
0x23: {  	_ =	swait.ge [sflag:s19], $0x2000  }
0x24: {  	[sflag:s19] =	ssyncset.done $0x0  }
0x25: {  	s22 =	simm.s32 $0x180;
	[sflag:s19] =	ssyncadd.s32 $0xFFFFE000  }
0x26: {  	[tilespmem:s14], [sflag:$0x2] =	stream.indirect.gather [hbm4b:s3+s12], $0x40, s22, s12, $0xb8;
	[tilespmem:$0x8000] =	vst v63  }
0x27: {  	_ =	swait.ge [sflag:s15], $0x2000  }
0x28: {  	[sflag:s15] =	ssyncset.done $0x0  }
0x29: {  	[sflag:s15] =	ssyncadd.s32 $0xFFFFE000  }
0x2a: {  	[hbm4b:s10+s2] =	stream.linear.scatter [tilespmem:s13], [sflag:$0x3], $0x2000, $0x38;
	[tilespmem:$0x8000] =	vst v63  }
0x2b: {  	_ =	swait.ge [sflag:s16], $0x2000  }
0x2c: {  	[sflag:s16] =	ssyncset.done $0x0  }
0x2d: {  	s31 =	simm.s32 $0x200;
	[sflag:s16] =	ssyncadd.s32 $0xFFFFE000  }
0x2e: {  	[tilespmem:s13], [sflag:$0x1] =	stream.indirect.gather [hbm4b:s3+s12], $0x40, s31, s12, $0xb8;
	[tilespmem:$0x8000] =	vst v63  }
0x2f: {  	_ =	swait.ge [sflag:s18], $0x2000  }
0x30: {  	s24 =	sadd.s32 $0x400, s10;
	[sflag:s18] =	ssyncset.done $0x0  }
0x31: {  	s23 =	sadd.s32 $0x800, s10;
	s22 =	simm.s32 $0x400;
	[sflag:s18] =	ssyncadd.s32 $0xFFFFE000  }
.LBB2_2:
0x32: {  	[hbm4b:s24+s2] =	stream.linear.scatter [tilespmem:s14], [sflag:$0x4], $0x2000, $0x38;
	[tilespmem:$0x8000] =	vst v63  }
0x33: {  	s24 =	smov.u32 s22  }
0x34: {  	p0 =	sne.s32 s22, $0xF400;
	s22 =	sadd.s32 $0x400, s22;
	_ =	swait.ge [sflag:s19], $0x2000  }
0x35: {  	s24 =	sshra.s32 s24, $0x2;
	[sflag:s19] =	ssyncset.done $0x0  }
0x36: {  	s25 =	sadd.s32 $0x180, s24;
	[sflag:s19] =	ssyncadd.s32 $0xFFFFE000  }
0x37: {  	[tilespmem:s14], [sflag:$0x2] =	stream.indirect.gather [hbm4b:s3+s12], $0x40, s25, s12, $0xb8;
	[tilespmem:$0x8000] =	vst v63  }
0x38: {  	_ =	swait.ge [sflag:s15], $0x2000  }
0x39: {  	[sflag:s15] =	ssyncset.done $0x0  }
0x3a: {  	[sflag:s15] =	ssyncadd.s32 $0xFFFFE000  }
0x3b: {  	[hbm4b:s23+s2] =	stream.linear.scatter [tilespmem:s13], [sflag:$0x3], $0x2000, $0x38;
	[tilespmem:$0x8000] =	vst v63  }
0x3c: {  	_ =	swait.ge [sflag:s16], $0x2000  }
0x3d: {  	[sflag:s16] =	ssyncset.done $0x0  }
.Ltmp0:
0x3e: {  	s24 =	sadd.s32 $0x200, s24;
	[sflag:s16] =	ssyncadd.s32 $0xFFFFE000;
	(pc) =	sbr.rel @p0 .LBB2_2-.Ltmp0, $4  }
0x3f: {  	[tilespmem:s13], [sflag:$0x1] =	stream.indirect.gather [hbm4b:s3+s12], $0x40, s24, s12, $0xb8;
	[tilespmem:$0x8000] =	vst v63  }
0x40: {  	_ =	swait.ge [sflag:s18], $0x2000  }
0x41: {  	[sflag:s18] =	ssyncset.done $0x0  }
0x42: {  	s24 =	sadd.s32 $0x400, s23;
	s23 =	sadd.s32 $0x800, s23;
	[sflag:s18] =	ssyncadd.s32 $0xFFFFE000  }
0x43: {  	[hbm4b:s24+s2] =	stream.linear.scatter [tilespmem:s14], [sflag:$0x4], $0x2000, $0x38;
	[tilespmem:$0x8000] =	vst v63  }
0x44: {  	_ =	swait.ge [sflag:s19], $0x2000  }
0x45: {  	[sflag:s19] =	ssyncset.done $0x0  }
0x46: {  	[sflag:s19] =	ssyncadd.s32 $0xFFFFE000  }
0x47: {  	[tilespmem:s14], [sflag:$0x2] =	stream.indirect.gather [hbm4b:s3+s12], $0x40, s20, s12, $0xb8;
	[tilespmem:$0x8000] =	vst v63  }
0x48: {  	_ =	swait.ge [sflag:s15], $0x2000  }
0x49: {  	[sflag:s15] =	ssyncset.done $0x0  }
0x4a: {  	[sflag:s15] =	ssyncadd.s32 $0xFFFFE000  }
0x4b: {  	[hbm4b:s8+s2] =	stream.linear.scatter [tilespmem:s13], [sflag:$0x3], $0x2000, $0x38;
	[tilespmem:$0x8000] =	vst v63  }
0x4c: {  	_ =	swait.ge [sflag:s16], $0x2000  }
0x4d: {  	[sflag:s16] =	ssyncset.done $0x0  }
0x4e: {  	[sflag:s16] =	ssyncadd.s32 $0xFFFFE000  }
0x4f: {  	s21 =	sadd.s32 $0x1, s21;
	_ =	swait.ge [sflag:s18], $0x2000  }
0x50: {  	p0 =	sne.s32 s21, s6;
	[sflag:s18] =	ssyncset.done $0x0  }
.Ltmp1:
0x51: {  	[sflag:s18] =	ssyncadd.s32 $0xFFFFE000;
	(pc) =	sbr.rel @p0 .LBB2_1-.Ltmp1, $4  }
0x52: {  	[hbm4b:s9+s2] =	stream.linear.scatter [tilespmem:s14], [sflag:$0x4], $0x2000, $0x38;
	[tilespmem:$0x8000] =	vst v63  }
0x53: {  	_ =	swait.ge [sflag:s19], $0x2000  }
0x54: {  	[sflag:s19] =	ssyncset.done $0x0  }
0x55: {  	[sflag:s19] =	ssyncadd.s32 $0xFFFFE000  }
0x56: {  	_ =	sfence.sel $0x180000  }
0x57: {  	[bflag:$0x0] =	sbarrier.arrive $0xFFFF  }
0x58: {  	p0 =	sne.s32 s1, $0x0;
	_ =	strace $0x9000004A  }
0x59: {  	s0 =	sadd.s32 @!p0 $0x100000, s0;
	[bflag:$0x2] =	sbarrier.arrive $0xFFFF  }
0x5a: {  	[sflag:s0] =	ssyncadd.tile.s32 @!p0 $0x1;
	_ =	shalt  }
.Lfunc_end2:
_tile_overlayer_lowered:
.L_overlay_start_2:
0x5b: {  	(tag) =	ssettag $0x2  }
0x5c: {  	s0 =	rddreg [dreg:$0x0];
	s2 =	stileid.u32  }
0x5d: {  	s1 =	rddreg [dreg:$0x1];
	p0 =	sne.s32 s2, $0x0  }
0x5e: {  	s3 =	rddreg [dreg:$0x2];
	[bflag:$0x3] =	sbarrier.arrive $0xFFFF;
	s2 =	simm.s32 @!p0 $0x1C05  }
0x5f: {  	[timem:s3], [sflag:s2] =	dma.local @!p0 [hbm:s0], s1  }
0x60: {  	s0 =	simm.s32 @!p0 $0x5  }
0x61: {  	_ =	swait.ge @!p0 [sflag:s0], s1  }
0x62: {  	s1 =	ssub.s32 @!p0 $0x0, s1;
	[sflag:s0] =	ssyncset.done @!p0 $0x0  }
0x63: {  	[sflag:s0] =	ssyncadd.s32 @!p0 s1  }
0x64: {  	[bflag:$0x3] =	sbarrier.arrive $0xFFFF  }
0x65: {  	_ =	shalt  }

// kernel: kernel.20.cloned.1.call-start
scs
__scs_entry_jumppad:
0x0: {  	(pc) =	sbr.rel $0x88, $3  }
0x1: {  	(tag) =	ssettag $0x0;
	lr =	simm.s32 $0x1  }
0x2: {  	[smem:$0x3F86] =	sst lr;
	_ =	strace $0xD0000000  }
0x3: {  	_ = 	snop  }
0x4: {  	_ = 	snop  }
0x5: {  	_ = 	snop  }
0x6: {  	_ = 	snop  }
0x7: {  	_ = 	snop  }
__scs_overlays_trampoline_lowered:
0x8: {  	[smem:$0x3F95] =	sst s0  }
0x9: {  	[smem:$0x3F96] =	sst s1  }
0xa: {  	[smem:$0x3F97] =	sst s2  }
0xb: {  	[smem:$0x3F98] =	sst s3  }
0xc: {  	[smem:$0x3F99] =	sst s4  }
0xd: {  	[smem:$0x3F9A] =	sst s5  }
0xe: {  	[smem:$0x3F9B] =	sst s6  }
0xf: {  	[smem:$0x3F9C] =	sst s7  }
0x10: {  	[smem:$0x3F9D] =	sst s8  }
0x11: {  	[smem:$0x3F9E] =	sst s9;
	s0 =	simm.s32 @!p0 $0x0  }
0x12: {  	s1 =	sld [smem:$0x3F84];
	s0 =	simm.s32 @p0 $0x1  }
0x13: {  	[smem:$0x3F9F] =	sst s0;
	s0 =	simm.s32 @!p1 $0x0  }
0x14: {  	s2 =	sld [smem:$0x3F83];
	s0 =	simm.s32 @p1 $0x1  }
0x15: {  	[smem:$0x3FA0] =	sst s0;
	s0 =	simm.s32 @!p2 $0x0  }
0x16: {  	s3 =	sld [smem:$0x3FDB];
	s0 =	simm.s32 @p2 $0x1  }
0x17: {  	s4 =	simm.s32 $0x1BF5;
	[smem:$0x3FA2] =	sst s0  }
0x18: {  	s0 =	sld [smem:$0x3F85];
	_ =	swait.ge [sflag:s4], $0x0  }
0x19: {  	s7 =	sld [smem:$0x3F86]  }
0x1a: {  	s8 =	sadd.s32 $0xFFFFE003, lr  }
0x1b: {  	s9 =	sadd.s32 $0xFFFFFEF7, lr;
	s5 =	simm.s32 $0xFFFFFFFF;
	p2 =	slt.u32 s8, $0xFFFFF086  }
0x1c: {  	p1 =	slt.u32 s9, $0xF7A;
	s5 =	simm.s32 @!p2 $0x0  }
0x1d: {  	s5 =	simm.s32 @p1 $0x1;
	p0 =	seq.s32 s7, s2  }
0x1e: {  	s7 =	smul.u32 @!p0 $0xF7A, s2;
	p2 =	seq.s32 @!p0 s5, $0x0  }
0x1f: {  	s9 =	smul.u32 $0xF7A, s1;
	s8 =	simm.s32 @!p0 $0x1BF5;
	p2 =	por !p2, p0  }
0x20: {  	[sflag:s8] =	ssyncset.s32 @!p0 $0xFFFFF086;
	s6 =	sadd.s32 @!p0 s3, s7;
	s7 =	simm.s32 @!p0 $0x108  }
0x21: {  	s3 =	sadd.s32 s3, s9;
	s6 =	sadd.s32 @!p0 $0x88, s6;
	s7 =	simm.s32 @p2 $0x1082  }
0x22: {  	[simem:s7], [sflag:s8] =	dma.local @!p0 [hbm:s6], $0xF7A  }
0x23: {  	s9 =	sor.u32 $0xD0000000, s2;
	s6 =	simm.s32 $0x108;
	_ =	swait.ge @!p0 [sflag:s8], $0x0  }
0x24: {  	s3 =	sadd.s32 $0x88, s3;
	s6 =	simm.s32 @!p1 $0x1082;
	[sflag:s4] =	ssyncset.s32 $0xFFFFF086  }
0x25: {  	[simem:s6], [sflag:s4] =	dma.local [hbm:s3], $0xF7A  }
0x26: {  	[smem:$0x3F86] =	sst s1;
	(tag) =	ssettag s2;
	_ =	strace s9  }
0x27: {  	s1 =	sld [smem:$0x3F96]  }
0x28: {  	s2 =	sld [smem:$0x3F97]  }
0x29: {  	s4 =	sld [smem:$0x3F99]  }
0x2a: {  	p0 =	seq.s32 s5, $0x0;
	s5 =	sld [smem:$0x3F9A]  }
0x2b: {  	s6 =	sld [smem:$0x3F9B]  }
0x2c: {  	s7 =	sld [smem:$0x3F9C]  }
0x2d: {  	s3 =	simm.s32 $0x108;
	s8 =	sld [smem:$0x3F9D]  }
0x2e: {  	s3 =	simm.s32 @!p0 $0x1082;
	s9 =	sld [smem:$0x3F9E]  }
0x2f: {  	lr =	sadd.s32 s0, s3;
	s0 =	sld [smem:$0x3F95]  }
0x30: {  	s3 =	sld [smem:$0x3F98]  }
0x31: {  	[smem:$0x3FA1] =	sst s10  }
0x32: {  	s10 =	sld [smem:$0x3F9F];
	_ =	sdelay $0x3  }
0x33: {  	p0 =	seq.s32 s10, $0x1;
	s10 =	sld [smem:$0x3FA1];
	_ =	sdelay $0x3  }
0x34: {  	[smem:$0x3FA1] =	sst s10  }
0x35: {  	s10 =	sld [smem:$0x3FA0];
	_ =	sdelay $0x3  }
0x36: {  	p1 =	seq.s32 s10, $0x1;
	s10 =	sld [smem:$0x3FA1];
	_ =	sdelay $0x3  }
0x37: {  	[smem:$0x3FA1] =	sst s10  }
0x38: {  	s10 =	sld [smem:$0x3FA2]  }
0x39: {  	_ = 	snop;
	(pc) =	sbr.ind lr, $3  }
0x3a: {  	_ = 	snop  }
0x3b: {  	_ = 	snop  }
0x3c: {  	p2 =	seq.s32 s10, $0x1;
	s10 =	sld [smem:$0x3FA1]  }
0x3d: {  	_ =	shalt  }
0x3e: {  	_ =	shalt  }
0x3f: {  	_ =	shalt  }
0x40: {  	_ =	shalt  }
0x41: {  	_ =	shalt  }
0x42: {  	_ =	shalt  }
0x43: {  	_ =	shalt  }
0x44: {  	_ =	shalt  }
0x45: {  	_ =	shalt  }
0x46: {  	_ =	shalt  }
0x47: {  	_ =	shalt  }
0x48: {  	_ =	shalt  }
0x49: {  	_ =	shalt  }
0x4a: {  	_ =	shalt  }
0x4b: {  	_ =	shalt  }
0x4c: {  	_ =	shalt  }
0x4d: {  	_ =	shalt  }
0x4e: {  	_ =	shalt  }
0x4f: {  	_ =	shalt  }
0x50: {  	_ =	shalt  }
0x51: {  	_ =	shalt  }
0x52: {  	_ =	shalt  }
0x53: {  	_ =	shalt  }
0x54: {  	_ =	shalt  }
0x55: {  	_ =	shalt  }
0x56: {  	_ =	shalt  }
0x57: {  	_ =	shalt  }
0x58: {  	_ =	shalt  }
0x59: {  	_ =	shalt  }
0x5a: {  	_ =	shalt  }
0x5b: {  	_ =	shalt  }
0x5c: {  	_ =	shalt  }
0x5d: {  	_ =	shalt  }
0x5e: {  	_ =	shalt  }
0x5f: {  	_ =	shalt  }
0x60: {  	_ =	shalt  }
0x61: {  	_ =	shalt  }
0x62: {  	_ =	shalt  }
0x63: {  	_ =	shalt  }
0x64: {  	_ =	shalt  }
0x65: {  	_ =	shalt  }
0x66: {  	_ =	shalt  }
0x67: {  	_ =	shalt  }
0x68: {  	_ =	shalt  }
0x69: {  	_ =	shalt  }
0x6a: {  	_ =	shalt  }
0x6b: {  	_ =	shalt  }
0x6c: {  	_ =	shalt  }
0x6d: {  	_ =	shalt  }
0x6e: {  	_ =	shalt  }
0x6f: {  	_ =	shalt  }
0x70: {  	_ =	shalt  }
0x71: {  	_ =	shalt  }
0x72: {  	_ =	shalt  }
0x73: {  	_ =	shalt  }
0x74: {  	_ =	shalt  }
0x75: {  	_ =	shalt  }
0x76: {  	_ =	shalt  }
0x77: {  	_ =	shalt  }
0x78: {  	_ =	shalt  }
0x79: {  	_ =	shalt  }
0x7a: {  	_ =	shalt  }
0x7b: {  	_ =	shalt  }
0x7c: {  	_ =	shalt  }
0x7d: {  	_ =	shalt  }
0x7e: {  	_ =	shalt  }
0x7f: {  	_ =	shalt  }
0x80: {  	_ =	shalt  }
0x81: {  	_ =	shalt  }
0x82: {  	_ =	shalt  }
0x83: {  	_ =	shalt  }
0x84: {  	_ =	shalt  }
0x85: {  	_ =	shalt  }
0x86: {  	_ =	shalt  }
0x87: {  	_ =	shalt  }
.Lfunc_end0:
.L_simem_size_0:
called_computation.2_lowered:
.L_overlay_start_0:
0x88: {  	s2 =	sld [smem:$0x3FD9]  }
0x89: {  	s3 =	sld [smem:$0x3FFE];
	_ =	sdelay $0x1  }
0x8a: {  	s1 =	srdreg.scid  }
0x8b: {  	s0 =	sand.u32 $0x1, s1  }
0x8c: {  	s16 =	sshll.u32 s0, $0xA;
	s2 =	sadd.s32 s3, s2  }
0x8d: {  	s2 =	sadd.s32 s2, s16  }
0x8e: {  	[smem:$0x3FAD] =	sst s2  }
0x8f: {  	_ = 	snop  }
0x90: {  	(tm) =	ssettm $0x1  }
0x91: {  	s17 =	sld [smem:$0x3FFB];
	_ =	sdelay $0x3  }
0x92: {  	_ =	strace s17  }
0x93: {  	s2 =	sld [smem:$0x3FFC];
	_ =	sdelay $0x3  }
0x94: {  	_ =	strace s2  }
0x95: {  	s2 =	sld [smem:$0x3FFD];
	_ =	sdelay $0x3  }
0x96: {  	_ =	strace s2  }
0x97: {  	_ =	strace $0x8FFFFFFF  }
0x98: {  	s18 =	sld [smem:$0x3FDB];
	_ =	sdelay $0x1  }
0x99: {  	s19 =	simm.s32 $_scs_section_size  }
0x9a: {  	s4 =	simm.s32 $_size__tile_overlayer_lowered;
	s5 =	simm.s32 $_tile_overlayer_lowered  }
0x9b: {  	s22 =	simm.s32 $0x1BFF;
	s21 =	sshll.u32 s5, $0x1;
	s2 =	sadd.s32 s19, s18  }
0x9c: {  	s6 =	simm.s32 $0x0;
	s20 =	sshll.u32 s4, $0x1;
	s4 =	sadd.s32 s21, s2  }
0x9d: {  	[timem:s6], [sflag:s22] =	dma.local [hbm:s4], s20  }
0x9e: {  	_ =	swait.ge [sflag:s22], s20  }
0x9f: {  	s3 =	ssub.s32 $0x0, s20;
	[sflag:s22] =	ssyncset.done $0x0  }
0xa0: {  	[sflag:s22] =	ssyncadd.s32 s3;
	_ =	sdelay $0x1  }
0xa1: {  	s23 =	simm.s32 $0x1B8B  }
0xa2: {  	_ =	swait.ge [sflag:s23], $0x1  }
0xa3: {  	[sflag:s23] =	ssyncset.done $0x0  }
0xa4: {  	s25 =	simm.s32 $0x1B8E;
	s24 =	sld [smem:$0x3FFE];
	[sflag:s23] =	ssyncadd.s32 $0xFFFFFFFF  }
0xa5: {  	s26 =	simm.s32 $execute0_lowered;
	[smem:$0x3FD2] =	sst s25  }
0xa6: {  	s4 =	sshll.u32 s26, $0x1;
	_ =	strace $0x8000004C;
	[dreg:$0x1] =	wrdreg $0xFFFFFFFF  }
0xa7: {  	s28 =	simm.s32 $_size_execute0_lowered;
	s2 =	sadd.s32 s2, s4;
	[dreg:$0x0] =	wrdreg $0x0  }
0xa8: {  	s4 =	sshll.u32 s28, $0x1;
	[dreg:$0x2] =	wrdreg s2  }
0xa9: {  	[dreg:$0x3] =	wrdreg s4  }
0xaa: {  	[dreg:$0x4] =	wrdreg $0xC0  }
0xab: {  	_ =	task [dreg:s6], $0x5FFFF  }
0xac: {  	[dreg:$0x1] =	wrdreg $0xFFFFFFFF  }
0xad: {  	[dreg:$0x0] =	wrdreg $0x60  }
0xae: {  	[dreg:$0x2] =	wrdreg s24  }
0xaf: {  	[dreg:$0x3] =	wrdreg $0x9  }
0xb0: {  	_ =	task.clear_ibuf [dreg:s6], $0x4FFFF;
	_ =	strace $0x9000004C  }
0xb1: {  	s29 =	simm.s32 $0x9;
	_ =	strace $0x8000004E  }
0xb2: {  	_ =	swait.ge [sflag:s29], $0x1  }
0xb3: {  	[sflag:s29] =	ssyncadd.s32 $0xFFFFFFFF  }
0xb4: {  	_ =	strace $0x9000004E  }
0xb5: {  	_ =	sfence  }
0xb6: {  	s30 =	sld [smem:$0x0];
	_ =	sdelay $0x2  }
0xb7: {  	s31 =	sshll.u32 s1, $0xD;
	s1 =	sshrl.u32 s1, $0x2  }
0xb8: {  	s3 =	sand.u32 $0x4000, s31;
	s1 =	sadd.s32 s1, s30  }
0xb9: {  	s0 =	sor.u32 s3, s0;
	s1 =	sshll.u32 s1, $0x11  }
0xba: {  	s0 =	sor.u32 s1, s0  }
0xbb: {  	s0 =	sadd.s32 $0x8F2B, s0  }
0xbc: {  	[sflag:s0] =	ssyncadd.remote.s32 $0x1  }
0xbd: {  	_ =	sfence.sel $0xFFFF  }
0xbe: {  	[dreg:$0x0] =	wrdreg $0xFFFFFFFF;
	(pc) =	sbr.abs _section_cstart, $3  }
0xbf: {  	[dreg:$0x1] =	wrdreg $0xFFFFFFFF  }
0xc0: {  	_ =	task.clear_ibuf [dreg:s6], $0x2FFFF;
	_ =	strace $0x9FFFFFFF  }
0xc1: {  	(tm) =	ssettm $0x7FFFFFFF  }
tec
execute0_lowered:
.L_overlay_start_1:
0x0: {  	(tag) =	ssettag $0x1  }
0x1: {  	s4 =	rddreg [dreg:$0x0]  }
0x2: {  	s0 =	rddreg [dreg:$0x1]  }
0x3: {  	s3 =	srdreg.scid;
	s2 =	simm.s32 $0x0;
	s1 =	stileid.u32  }
0x4: {  	s12 =	simm.s32 $0x80;
	s13 =	simm.s32 $0x4000;
	s14 =	simm.s32 $0x8000  }
0x5: {  	s15 =	simm.s32 $0x1;
	s16 =	simm.s32 $0x3;
	s17 =	simm.s32 $0x100  }
0x6: {  	s18 =	simm.s32 $0x2;
	s19 =	simm.s32 $0x4;
	s20 =	simm.s32 $0x3F80  }
0x7: {  	s21 =	simm.s32 $0x0;
	s8 =	sand.u32 $0x1, s3;
	[smem:$0x7FF] =	sst s2  }
0x8: {  	s30 =	sshll.u32 s1, $0xF;
	s3 =	sadd.s32 $0x5A00, s4;
	s9 =	sadd.s32 $0x95A00, s4  }
0x9: {  	s10 =	sshll.u32 s1, $0x13;
	s5 =	sshll.u32 s8, $0xE;
	_ =	strace $0x8000004D  }
0xa: {  	s7 =	ssub.s32 $0x2, s8;
	s10 =	sadd.s32 s10, s9;
	s11 =	sshll.u32 s8, $0x12  }
0xb: {  	s5 =	sor.u32 s5, s30;
	s31 =	sshrl.u32 s7, $0x1;
	s10 =	sadd.s32 s11, s10  }
0xc: {  	s11 =	simm.s32 $0x5;
	s6 =	sshrl.u32 s5, $0x3;
	s7 =	ssub.s32 s7, s31  }
0xd: {  	s5 =	sshll.u32 s5, $0x4;
	s10 =	sadd.s32 $0x1000, s10;
	s6 =	sadd.s32 s6, s4  }
0xe: {  	s5 =	sadd.s32 s9, s5;
	s4 =	sadd.s32 $0x85A00, s6;
	s6 =	smax.u32 s7, $0x1  }
0xf: {  	s7 =	sadd.s32 $0x800, s5;
	s8 =	sadd.s32 $0x3F000, s5;
	s9 =	sadd.s32 $0x3F800, s5  }
.LBB2_1:
0x10: {  	[tilespmem:s2], [sflag:$0x5] =	stream.linear.gather [hbm4b:s4+s2], $0x4000, $0x38;
	[tilespmem:$0xC000] =	vst v63  }
0x11: {  	_ =	swait.ge [sflag:s11], $0x4000  }
0x12: {  	[sflag:s11] =	ssyncset.done $0x0  }
0x13: {  	[sflag:s11] =	ssyncadd.s32 $0xFFFFC000  }
0x14: {  	[tilespmem:s13], [sflag:$0x1] =	stream.indirect.gather [hbm4b:s3+s12], $0x80, s2, s12, $0xb8;
	[tilespmem:$0xC000] =	vst v63  }
0x15: {  	_ = 	snop  }
0x16: {  	[tilespmem:s14], [sflag:$0x2] =	stream.indirect.gather [hbm4b:s3+s12], $0x80, s12, s12, $0xb8;
	[tilespmem:$0xC000] =	vst v63  }
0x17: {  	_ =	swait.ge [sflag:s15], $0x4000  }
0x18: {  	[sflag:s15] =	ssyncset.done $0x0  }
0x19: {  	[sflag:s15] =	ssyncadd.s32 $0xFFFFC000  }
0x1a: {  	[hbm4b:s5+s2] =	stream.linear.scatter [tilespmem:s13], [sflag:$0x3], $0x4000, $0x38;
	[tilespmem:$0xC000] =	vst v63  }
0x1b: {  	_ =	swait.ge [sflag:s16], $0x4000  }
0x1c: {  	[sflag:s16] =	ssyncset.done $0x0  }
0x1d: {  	[sflag:s16] =	ssyncadd.s32 $0xFFFFC000  }
0x1e: {  	[tilespmem:s13], [sflag:$0x1] =	stream.indirect.gather [hbm4b:s3+s12], $0x80, s17, s12, $0xb8;
	[tilespmem:$0xC000] =	vst v63  }
0x1f: {  	_ =	swait.ge [sflag:s18], $0x4000  }
0x20: {  	[sflag:s18] =	ssyncset.done $0x0  }
0x21: {  	[sflag:s18] =	ssyncadd.s32 $0xFFFFC000  }
0x22: {  	[hbm4b:s7+s2] =	stream.linear.scatter [tilespmem:s14], [sflag:$0x4], $0x4000, $0x38;
	[tilespmem:$0xC000] =	vst v63  }
0x23: {  	_ =	swait.ge [sflag:s19], $0x4000  }
0x24: {  	[sflag:s19] =	ssyncset.done $0x0  }
0x25: {  	s22 =	simm.s32 $0x180;
	[sflag:s19] =	ssyncadd.s32 $0xFFFFC000  }
0x26: {  	[tilespmem:s14], [sflag:$0x2] =	stream.indirect.gather [hbm4b:s3+s12], $0x80, s22, s12, $0xb8;
	[tilespmem:$0xC000] =	vst v63  }
0x27: {  	_ =	swait.ge [sflag:s15], $0x4000  }
0x28: {  	[sflag:s15] =	ssyncset.done $0x0  }
0x29: {  	[sflag:s15] =	ssyncadd.s32 $0xFFFFC000  }
0x2a: {  	[hbm4b:s10+s2] =	stream.linear.scatter [tilespmem:s13], [sflag:$0x3], $0x4000, $0x38;
	[tilespmem:$0xC000] =	vst v63  }
0x2b: {  	_ =	swait.ge [sflag:s16], $0x4000  }
0x2c: {  	[sflag:s16] =	ssyncset.done $0x0  }
0x2d: {  	s31 =	simm.s32 $0x200;
	[sflag:s16] =	ssyncadd.s32 $0xFFFFC000  }
0x2e: {  	[tilespmem:s13], [sflag:$0x1] =	stream.indirect.gather [hbm4b:s3+s12], $0x80, s31, s12, $0xb8;
	[tilespmem:$0xC000] =	vst v63  }
0x2f: {  	_ =	swait.ge [sflag:s18], $0x4000  }
0x30: {  	s24 =	sadd.s32 $0x800, s10;
	[sflag:s18] =	ssyncset.done $0x0  }
0x31: {  	s23 =	sadd.s32 $0x1000, s10;
	s22 =	simm.s32 $0x400;
	[sflag:s18] =	ssyncadd.s32 $0xFFFFC000  }
.LBB2_2:
0x32: {  	[hbm4b:s24+s2] =	stream.linear.scatter [tilespmem:s14], [sflag:$0x4], $0x4000, $0x38;
	[tilespmem:$0xC000] =	vst v63  }
0x33: {  	s24 =	smov.u32 s22  }
0x34: {  	p0 =	sne.s32 s22, $0xF400;
	s22 =	sadd.s32 $0x400, s22;
	_ =	swait.ge [sflag:s19], $0x4000  }
0x35: {  	s24 =	sshra.s32 s24, $0x2;
	[sflag:s19] =	ssyncset.done $0x0  }
0x36: {  	s25 =	sadd.s32 $0x180, s24;
	[sflag:s19] =	ssyncadd.s32 $0xFFFFC000  }
0x37: {  	[tilespmem:s14], [sflag:$0x2] =	stream.indirect.gather [hbm4b:s3+s12], $0x80, s25, s12, $0xb8;
	[tilespmem:$0xC000] =	vst v63  }
0x38: {  	_ =	swait.ge [sflag:s15], $0x4000  }
0x39: {  	[sflag:s15] =	ssyncset.done $0x0  }
0x3a: {  	[sflag:s15] =	ssyncadd.s32 $0xFFFFC000  }
0x3b: {  	[hbm4b:s23+s2] =	stream.linear.scatter [tilespmem:s13], [sflag:$0x3], $0x4000, $0x38;
	[tilespmem:$0xC000] =	vst v63  }
0x3c: {  	_ =	swait.ge [sflag:s16], $0x4000  }
0x3d: {  	[sflag:s16] =	ssyncset.done $0x0  }
.Ltmp0:
0x3e: {  	s24 =	sadd.s32 $0x200, s24;
	[sflag:s16] =	ssyncadd.s32 $0xFFFFC000;
	(pc) =	sbr.rel @p0 .LBB2_2-.Ltmp0, $4  }
0x3f: {  	[tilespmem:s13], [sflag:$0x1] =	stream.indirect.gather [hbm4b:s3+s12], $0x80, s24, s12, $0xb8;
	[tilespmem:$0xC000] =	vst v63  }
0x40: {  	_ =	swait.ge [sflag:s18], $0x4000  }
0x41: {  	[sflag:s18] =	ssyncset.done $0x0  }
0x42: {  	s24 =	sadd.s32 $0x800, s23;
	s23 =	sadd.s32 $0x1000, s23;
	[sflag:s18] =	ssyncadd.s32 $0xFFFFC000  }
0x43: {  	[hbm4b:s24+s2] =	stream.linear.scatter [tilespmem:s14], [sflag:$0x4], $0x4000, $0x38;
	[tilespmem:$0xC000] =	vst v63  }
0x44: {  	_ =	swait.ge [sflag:s19], $0x4000  }
0x45: {  	[sflag:s19] =	ssyncset.done $0x0  }
0x46: {  	[sflag:s19] =	ssyncadd.s32 $0xFFFFC000  }
0x47: {  	[tilespmem:s14], [sflag:$0x2] =	stream.indirect.gather [hbm4b:s3+s12], $0x80, s20, s12, $0xb8;
	[tilespmem:$0xC000] =	vst v63  }
0x48: {  	_ =	swait.ge [sflag:s15], $0x4000  }
0x49: {  	[sflag:s15] =	ssyncset.done $0x0  }
0x4a: {  	[sflag:s15] =	ssyncadd.s32 $0xFFFFC000  }
0x4b: {  	[hbm4b:s8+s2] =	stream.linear.scatter [tilespmem:s13], [sflag:$0x3], $0x4000, $0x38;
	[tilespmem:$0xC000] =	vst v63  }
0x4c: {  	_ =	swait.ge [sflag:s16], $0x4000  }
0x4d: {  	[sflag:s16] =	ssyncset.done $0x0  }
0x4e: {  	[sflag:s16] =	ssyncadd.s32 $0xFFFFC000  }
0x4f: {  	s21 =	sadd.s32 $0x1, s21;
	_ =	swait.ge [sflag:s18], $0x4000  }
0x50: {  	p0 =	sne.s32 s21, s6;
	[sflag:s18] =	ssyncset.done $0x0  }
.Ltmp1:
0x51: {  	[sflag:s18] =	ssyncadd.s32 $0xFFFFC000;
	(pc) =	sbr.rel @p0 .LBB2_1-.Ltmp1, $4  }
0x52: {  	[hbm4b:s9+s2] =	stream.linear.scatter [tilespmem:s14], [sflag:$0x4], $0x4000, $0x38;
	[tilespmem:$0xC000] =	vst v63  }
0x53: {  	_ =	swait.ge [sflag:s19], $0x4000  }
0x54: {  	[sflag:s19] =	ssyncset.done $0x0  }
0x55: {  	[sflag:s19] =	ssyncadd.s32 $0xFFFFC000  }
0x56: {  	_ =	sfence.sel $0x180000  }
0x57: {  	[bflag:$0x0] =	sbarrier.arrive $0xFFFF  }
0x58: {  	p0 =	sne.s32 s1, $0x0;
	_ =	strace $0x9000004D  }
0x59: {  	s0 =	sadd.s32 @!p0 $0x100000, s0;
	[bflag:$0x2] =	sbarrier.arrive $0xFFFF  }
0x5a: {  	[sflag:s0] =	ssyncadd.tile.s32 @!p0 $0x1;
	_ =	shalt  }
.Lfunc_end2:
_tile_overlayer_lowered:
.L_overlay_start_2:
0x5b: {  	(tag) =	ssettag $0x2  }
0x5c: {  	s0 =	rddreg [dreg:$0x0];
	s2 =	stileid.u32  }
0x5d: {  	s1 =	rddreg [dreg:$0x1];
	p0 =	sne.s32 s2, $0x0  }
0x5e: {  	s3 =	rddreg [dreg:$0x2];
	[bflag:$0x3] =	sbarrier.arrive $0xFFFF;
	s2 =	simm.s32 @!p0 $0x1C05  }
0x5f: {  	[timem:s3], [sflag:s2] =	dma.local @!p0 [hbm:s0], s1  }
0x60: {  	s0 =	simm.s32 @!p0 $0x5  }
0x61: {  	_ =	swait.ge @!p0 [sflag:s0], s1  }
0x62: {  	s1 =	ssub.s32 @!p0 $0x0, s1;
	[sflag:s0] =	ssyncset.done @!p0 $0x0  }
0x63: {  	[sflag:s0] =	ssyncadd.s32 @!p0 s1  }
0x64: {  	[bflag:$0x3] =	sbarrier.arrive $0xFFFF  }
0x65: {  	_ =	shalt  }

</sc_bundles>
